<compile_context>
chip_gen: v7x
topology: tpu7x:2x2x1
jax: 0.10.2.dev20260603
libtpu: 0.0.44.dev20260713+nightly
codegen_flags: <defaults>
</compile_context>

<pallas_src>
import functools

import jax
import jax.numpy as jnp
from jax import lax
from jax.experimental import pallas as pl
from jax.experimental.pallas import tpu as pltpu
from jax.experimental.pallas import tpu_sc as plsc

NC = 2
NS = 16
NW = NC * NS

D = 64
P = 512
CH = 128


def _sc_embed(n_total: int):
    per_w = n_total // NW
    n_chunks = per_w // CH
    assert n_chunks % 2 == 0
    mesh = plsc.VectorSubcoreMesh(core_axis_name="c", subcore_axis_name="s")

    @functools.partial(
        pl.kernel,
        out_type=jax.ShapeDtypeStruct((n_total, D), jnp.float32),
        mesh=mesh,
        compiler_params=pltpu.CompilerParams(use_tc_tiling_on_sc=False),
        scratch_types=[
            pltpu.VMEM((2, CH), jnp.int32),
            pltpu.VMEM((2, CH), jnp.int32),
            pltpu.VMEM((2, CH), jnp.int32),
            pltpu.VMEM((2, CH, D), jnp.float32),
            pltpu.VMEM_SHARED((P, D), jnp.float32),
            pltpu.VMEM_SHARED((P, D), jnp.float32),
            pltpu.SemaphoreType.DMA((2,)),
            pltpu.SemaphoreType.DMA((2,)),
            pltpu.SemaphoreType.DMA((2,)),
            pltpu.SemaphoreType.DMA((2,)),
        ],
    )
    def k(word_h, head_h, tail_h, wtab_h, htab_h, ttab_h, out_h,
          idxw, idxh, idxt, bufw, htab_s, ttab_s, semi, semw, sema, semo):
        wid = lax.axis_index("s") * NC + lax.axis_index("c")
        w_base = wid * per_w

        @pl.when(lax.axis_index("s") == 0)
        def _():
            pltpu.sync_copy(htab_h, htab_s)
            pltpu.sync_copy(ttab_h, ttab_s)

        plsc.subcore_barrier()

        def start_idx_one(src_h, idx_ref, g, b):
            base = w_base + g * CH
            pltpu.async_copy(src_h.at[pl.ds(base, CH)], idx_ref.at[b], semi.at[b])

        def start_idx(g, b):
            start_idx_one(word_h, idxw, g, b)
            start_idx_one(head_h, idxh, g, b)
            start_idx_one(tail_h, idxt, g, b)

        def wait_idx(g, b):
            base = w_base + g * CH
            pltpu.make_async_copy(word_h.at[pl.ds(base, CH)], idxw.at[b], semi.at[b]).wait()
            pltpu.make_async_copy(head_h.at[pl.ds(base, CH)], idxh.at[b], semi.at[b]).wait()
            pltpu.make_async_copy(tail_h.at[pl.ds(base, CH)], idxt.at[b], semi.at[b]).wait()

        def start_word_gather(b):
            pltpu.async_copy(wtab_h.at[idxw.at[b]], bufw.at[b], semw.at[b])

        def wait_word_gather(b):
            pltpu.make_async_copy(wtab_h.at[idxw.at[b]], bufw.at[b], semw.at[b]).wait()

        def start_store(g, b):
            base = w_base + g * CH
            pltpu.async_copy(bufw.at[b], out_h.at[pl.ds(base, CH)], semo.at[b])

        def wait_store(g, b):
            base = w_base + g * CH
            pltpu.make_async_copy(bufw.at[b], out_h.at[pl.ds(base, CH)], semo.at[b]).wait()

        start_idx(0, 0)
        wait_idx(0, 0)
        start_word_gather(0)
        start_idx(1, 1)

        def iter_body(g, b):
            b2 = 1 - b

            @pl.when(g > 0)
            def _():
                wait_store(g - 1, b2)

            @pl.when(g < n_chunks - 1)
            def _():
                wait_idx(g + 1, b2)
                start_word_gather(b2)

            wait_word_gather(b)

            ch = pltpu.async_copy(htab_s.at[idxh.at[b]], bufw.at[b], sema.at[b], add=True)
            ct = pltpu.async_copy(ttab_s.at[idxt.at[b]], bufw.at[b], sema.at[b], add=True)

            @pl.when(g < n_chunks - 2)
            def _():
                start_idx_one(word_h, idxw, g + 2, b)

            ch.wait()
            ct.wait()

            @pl.when(g < n_chunks - 2)
            def _():
                start_idx_one(head_h, idxh, g + 2, b)
                start_idx_one(tail_h, idxt, g + 2, b)

            start_store(g, b)

        def pair_body(g2, _):
            iter_body(g2 * 2, 0)
            iter_body(g2 * 2 + 1, 1)
            return 0

        lax.fori_loop(0, n_chunks // 2, pair_body, 0)
        wait_store(n_chunks - 1, 1)

    return k


def kernel(word, head, tail, wordEmbed, headPosEmbed, tailPosEmbed):
    b, l = word.shape
    n = b * l
    wf = word.reshape(n).astype(jnp.int32)
    hf = head.reshape(n).astype(jnp.int32)
    tf = tail.reshape(n).astype(jnp.int32)
    out = _sc_embed(n)(wf, hf, tf, wordEmbed, headPosEmbed, tailPosEmbed)
    return out.reshape(b, l, D)

# --- scband reference (transcript-rebuilt; emitter-appended) ---
"""Pipeline reference for scband-embedding-19963007992405 (READ-ONLY COPY).

The authoritative reference and input builder live on the scoring server;
editing this copy changes nothing except your own understanding.
"""

import jax, jax.numpy as jnp
import numpy as np

VOCAB = 1000000
WORD_DIM = 64
POS_SIZE = 512
POS_DIM = 64
B = 4096
L = 200


def setup_inputs(seed: int = 0) -> dict:
    key = jax.random.key(seed)
    k1, k2, k3, k4, k5, k6 = jax.random.split(key, 6)
    word = jax.random.randint(k1, (B, L), 0, VOCAB, dtype=jnp.int64 if jax.config.jax_enable_x64 else jnp.int32)
    head = jax.random.randint(k2, (B, L), 0, POS_SIZE, dtype=word.dtype)
    tail = jax.random.randint(k3, (B, L), 0, POS_SIZE, dtype=word.dtype)
    wordEmbed = jax.random.normal(k4, (VOCAB, WORD_DIM), dtype=jnp.float32) * 0.02
    wordEmbed = wordEmbed.at[0].set(0.0)  # padding_idx=0
    headPosEmbed = jax.random.normal(k5, (POS_SIZE, POS_DIM), dtype=jnp.float32) * 0.02
    headPosEmbed = headPosEmbed.at[0].set(0.0)
    tailPosEmbed = jax.random.normal(k6, (POS_SIZE, POS_DIM), dtype=jnp.float32) * 0.02
    tailPosEmbed = tailPosEmbed.at[0].set(0.0)
    return {
        "word": word,
        "head": head,
        "tail": tail,
        "wordEmbed": wordEmbed,
        "headPosEmbed": headPosEmbed,
        "tailPosEmbed": tailPosEmbed,
    }


def reference(word, head, tail, wordEmbed, headPosEmbed, tailPosEmbed):
    # dim_strategy == 'sum': pos_dim == word_dim, embeddings are summed
    word_embedding = jnp.take(wordEmbed, word, axis=0)
    head_embedding = jnp.take(headPosEmbed, head, axis=0)
    tail_embedding = jnp.take(tailPosEmbed, tail, axis=0)
    return word_embedding + head_embedding + tail_embedding

if __name__ == "__main__":
    import jax
    _d = setup_inputs()
    print(jax.jit(kernel)(*tuple(_d.values())))

</pallas_src>

<mosaic_0001>
#map = affine_map<(d0, d1) -> (0)>
#map1 = affine_map<(d0, d1) -> (0, 0)>
module attributes {stable_mosaic.version = 14 : i64} {
  func.func @k(%arg0: i32, %arg1: i32, %arg2: memref<819200xi32, #tpu.memory_space<hbm>>, %arg3: memref<819200xi32, #tpu.memory_space<hbm>>, %arg4: memref<819200xi32, #tpu.memory_space<hbm>>, %arg5: memref<1000000x64xf32, #tpu.memory_space<hbm>>, %arg6: memref<512x64xf32, #tpu.memory_space<hbm>>, %arg7: memref<512x64xf32, #tpu.memory_space<hbm>>, %arg8: memref<819200x64xf32, #tpu.memory_space<hbm>>, %arg9: memref<2x128xi32, #tpu.memory_space<vmem>>, %arg10: memref<2x128xi32, #tpu.memory_space<vmem>>, %arg11: memref<2x128xi32, #tpu.memory_space<vmem>>, %arg12: memref<2x128x64xf32, #tpu.memory_space<vmem>>, %arg13: memref<512x64xf32, #tpu.memory_space<vmem_shared>>, %arg14: memref<512x64xf32, #tpu.memory_space<vmem_shared>>, %arg15: memref<2x!tpu.dma_semaphore, #tpu.memory_space<semaphore_mem>>, %arg16: memref<2x!tpu.dma_semaphore, #tpu.memory_space<semaphore_mem>>, %arg17: memref<2x!tpu.dma_semaphore, #tpu.memory_space<semaphore_mem>>, %arg18: memref<2x!tpu.dma_semaphore, #tpu.memory_space<semaphore_mem>>) attributes {dimension_semantics = [#tpu.dimension_semantics<core_parallel>, #tpu.dimension_semantics<subcore_parallel>], iteration_bounds = array<i64: 2, 16>, scalar_prefetch = 0 : i64, scratch_operands = 10 : i64, tpu.core_type = #tpu.core_type<sc_vector_subcore>, window_params = [{transform_indices = #map}, {transform_indices = #map}, {transform_indices = #map}, {transform_indices = #map1}, {transform_indices = #map1}, {transform_indices = #map1}, {transform_indices = #map1}]} {
    %mul3A = arith.constant 2 : i32
    %mul3A_0 = arith.muli %arg1, %mul3A : i32
    %add3A = arith.addi %mul3A_0, %arg0 : i32
    %mul3A_1 = arith.constant 25600 : i32
    %mul3A_2 = arith.muli %add3A, %mul3A_1 : i32
    %eq3A = arith.constant 0 : i32
    %eq3A_3 = arith.cmpi eq, %arg1, %eq3A : i32
    %convert_element_type3A = arith.extui %eq3A_3 : i1 to i32
    %cond3A = arith.constant 0 : i32
    %cond3A_4 = arith.cmpi ne, %convert_element_type3A, %cond3A : i32
    scf.if %cond3A_4 {
      "tpu.region"() ({
        %run_scoped3A = tpu.sem_alloc : memref<!tpu.dma_semaphore, #tpu.memory_space<semaphore_mem>>
        tpu.enqueue_dma source(%arg6 : memref<512x64xf32, #tpu.memory_space<hbm>>) target(%arg13 : memref<512x64xf32, #tpu.memory_space<vmem_shared>>) target_semaphore(%run_scoped3A : memref<!tpu.dma_semaphore, #tpu.memory_space<semaphore_mem>>)
        tpu.wait_dma2 semaphore(%run_scoped3A : memref<!tpu.dma_semaphore, #tpu.memory_space<semaphore_mem>>) src(%arg6 : memref<512x64xf32, #tpu.memory_space<hbm>>) dst(%arg13 : memref<512x64xf32, #tpu.memory_space<vmem_shared>>)
        tpu.yield
      }) : () -> ()
      "tpu.region"() ({
        %run_scoped3A = tpu.sem_alloc : memref<!tpu.dma_semaphore, #tpu.memory_space<semaphore_mem>>
        tpu.enqueue_dma source(%arg7 : memref<512x64xf32, #tpu.memory_space<hbm>>) target(%arg14 : memref<512x64xf32, #tpu.memory_space<vmem_shared>>) target_semaphore(%run_scoped3A : memref<!tpu.dma_semaphore, #tpu.memory_space<semaphore_mem>>)
        tpu.wait_dma2 semaphore(%run_scoped3A : memref<!tpu.dma_semaphore, #tpu.memory_space<semaphore_mem>>) src(%arg7 : memref<512x64xf32, #tpu.memory_space<hbm>>) dst(%arg14 : memref<512x64xf32, #tpu.memory_space<vmem_shared>>)
        tpu.yield
      }) : () -> ()
    } else {
    }
    %barrier3A = arith.constant 0 : index
    tpu.barrier barrier_id(%barrier3A)
    %add3A_5 = arith.constant 0 : i32
    %add3A_6 = arith.addi %mul3A_2, %add3A_5 : i32
    %dma_start3A = arith.constant 0 : i32
    %dma_start3A_7 = arith.constant 0 : i32
    %dma_start3A_8 = arith.constant 0 : i32
    %dma_start3A_9 = tpu.memref_slice %arg9[%dma_start3A, %dma_start3A_8] : memref<2x128xi32, #tpu.memory_space<vmem>> -> memref<1x128xi32, #tpu.memory_space<vmem>>
    %dma_start3A_10 = tpu.memref_squeeze %dma_start3A_9 : memref<1x128xi32, #tpu.memory_space<vmem>> -> memref<128xi32, #tpu.memory_space<vmem>>
    %dma_start3A_11 = tpu.memref_slice %arg2[%add3A_6] : memref<819200xi32, #tpu.memory_space<hbm>> -> memref<128xi32, #tpu.memory_space<hbm>>
    %dma_start3A_12 = tpu.memref_slice %arg15[%dma_start3A_7] : memref<2x!tpu.dma_semaphore, #tpu.memory_space<semaphore_mem>> -> memref<1x!tpu.dma_semaphore, #tpu.memory_space<semaphore_mem>>
    %dma_start3A_13 = tpu.memref_squeeze %dma_start3A_12 : memref<1x!tpu.dma_semaphore, #tpu.memory_space<semaphore_mem>> -> memref<!tpu.dma_semaphore, #tpu.memory_space<semaphore_mem>>
    %dma_start3A_14 = arith.constant 0 : i32
    %dma_start3A_15 = tpu.memref_slice %arg9[%dma_start3A, %dma_start3A_14] : memref<2x128xi32, #tpu.memory_space<vmem>> -> memref<1x128xi32, #tpu.memory_space<vmem>>
    %dma_start3A_16 = tpu.memref_squeeze %dma_start3A_15 : memref<1x128xi32, #tpu.memory_space<vmem>> -> memref<128xi32, #tpu.memory_space<vmem>>
    %dma_start3A_17 = tpu.memref_slice %arg2[%add3A_6] : memref<819200xi32, #tpu.memory_space<hbm>> -> memref<128xi32, #tpu.memory_space<hbm>>
    tpu.enqueue_dma source(%dma_start3A_17 : memref<128xi32, #tpu.memory_space<hbm>>) target(%dma_start3A_16 : memref<128xi32, #tpu.memory_space<vmem>>) target_semaphore(%dma_start3A_13 : memref<!tpu.dma_semaphore, #tpu.memory_space<semaphore_mem>>)
    %add3A_18 = arith.constant 0 : i32
    %add3A_19 = arith.addi %mul3A_2, %add3A_18 : i32
    %dma_start3A_20 = arith.constant 0 : i32
    %dma_start3A_21 = arith.constant 0 : i32
    %dma_start3A_22 = arith.constant 0 : i32
    %dma_start3A_23 = tpu.memref_slice %arg10[%dma_start3A_20, %dma_start3A_22] : memref<2x128xi32, #tpu.memory_space<vmem>> -> memref<1x128xi32, #tpu.memory_space<vmem>>
    %dma_start3A_24 = tpu.memref_squeeze %dma_start3A_23 : memref<1x128xi32, #tpu.memory_space<vmem>> -> memref<128xi32, #tpu.memory_space<vmem>>
    %dma_start3A_25 = tpu.memref_slice %arg3[%add3A_19] : memref<819200xi32, #tpu.memory_space<hbm>> -> memref<128xi32, #tpu.memory_space<hbm>>
    %dma_start3A_26 = tpu.memref_slice %arg15[%dma_start3A_21] : memref<2x!tpu.dma_semaphore, #tpu.memory_space<semaphore_mem>> -> memref<1x!tpu.dma_semaphore, #tpu.memory_space<semaphore_mem>>
    %dma_start3A_27 = tpu.memref_squeeze %dma_start3A_26 : memref<1x!tpu.dma_semaphore, #tpu.memory_space<semaphore_mem>> -> memref<!tpu.dma_semaphore, #tpu.memory_space<semaphore_mem>>
    %dma_start3A_28 = arith.constant 0 : i32
    %dma_start3A_29 = tpu.memref_slice %arg10[%dma_start3A_20, %dma_start3A_28] : memref<2x128xi32, #tpu.memory_space<vmem>> -> memref<1x128xi32, #tpu.memory_space<vmem>>
    %dma_start3A_30 = tpu.memref_squeeze %dma_start3A_29 : memref<1x128xi32, #tpu.memory_space<vmem>> -> memref<128xi32, #tpu.memory_space<vmem>>
    %dma_start3A_31 = tpu.memref_slice %arg3[%add3A_19] : memref<819200xi32, #tpu.memory_space<hbm>> -> memref<128xi32, #tpu.memory_space<hbm>>
    tpu.enqueue_dma source(%dma_start3A_31 : memref<128xi32, #tpu.memory_space<hbm>>) target(%dma_start3A_30 : memref<128xi32, #tpu.memory_space<vmem>>) target_semaphore(%dma_start3A_27 : memref<!tpu.dma_semaphore, #tpu.memory_space<semaphore_mem>>)
    %add3A_32 = arith.constant 0 : i32
    %add3A_33 = arith.addi %mul3A_2, %add3A_32 : i32
    %dma_start3A_34 = arith.constant 0 : i32
    %dma_start3A_35 = arith.constant 0 : i32
    %dma_start3A_36 = arith.constant 0 : i32
    %dma_start3A_37 = tpu.memref_slice %arg11[%dma_start3A_34, %dma_start3A_36] : memref<2x128xi32, #tpu.memory_space<vmem>> -> memref<1x128xi32, #tpu.memory_space<vmem>>
    %dma_start3A_38 = tpu.memref_squeeze %dma_start3A_37 : memref<1x128xi32, #tpu.memory_space<vmem>> -> memref<128xi32, #tpu.memory_space<vmem>>
    %dma_start3A_39 = tpu.memref_slice %arg4[%add3A_33] : memref<819200xi32, #tpu.memory_space<hbm>> -> memref<128xi32, #tpu.memory_space<hbm>>
    %dma_start3A_40 = tpu.memref_slice %arg15[%dma_start3A_35] : memref<2x!tpu.dma_semaphore, #tpu.memory_space<semaphore_mem>> -> memref<1x!tpu.dma_semaphore, #tpu.memory_space<semaphore_mem>>
    %dma_start3A_41 = tpu.memref_squeeze %dma_start3A_40 : memref<1x!tpu.dma_semaphore, #tpu.memory_space<semaphore_mem>> -> memref<!tpu.dma_semaphore, #tpu.memory_space<semaphore_mem>>
    %dma_start3A_42 = arith.constant 0 : i32
    %dma_start3A_43 = tpu.memref_slice %arg11[%dma_start3A_34, %dma_start3A_42] : memref<2x128xi32, #tpu.memory_space<vmem>> -> memref<1x128xi32, #tpu.memory_space<vmem>>
    %dma_start3A_44 = tpu.memref_squeeze %dma_start3A_43 : memref<1x128xi32, #tpu.memory_space<vmem>> -> memref<128xi32, #tpu.memory_space<vmem>>
    %dma_start3A_45 = tpu.memref_slice %arg4[%add3A_33] : memref<819200xi32, #tpu.memory_space<hbm>> -> memref<128xi32, #tpu.memory_space<hbm>>
    tpu.enqueue_dma source(%dma_start3A_45 : memref<128xi32, #tpu.memory_space<hbm>>) target(%dma_start3A_44 : memref<128xi32, #tpu.memory_space<vmem>>) target_semaphore(%dma_start3A_41 : memref<!tpu.dma_semaphore, #tpu.memory_space<semaphore_mem>>)
    %add3A_46 = arith.constant 0 : i32
    %add3A_47 = arith.addi %mul3A_2, %add3A_46 : i32
    %dma_wait3A = arith.constant 0 : i32
    %dma_wait3A_48 = arith.constant 0 : i32
    %dma_wait3A_49 = arith.constant 0 : i32
    %dma_wait3A_50 = tpu.memref_slice %arg9[%dma_wait3A, %dma_wait3A_49] : memref<2x128xi32, #tpu.memory_space<vmem>> -> memref<1x128xi32, #tpu.memory_space<vmem>>
    %dma_wait3A_51 = tpu.memref_squeeze %dma_wait3A_50 : memref<1x128xi32, #tpu.memory_space<vmem>> -> memref<128xi32, #tpu.memory_space<vmem>>
    %dma_wait3A_52 = tpu.memref_slice %arg2[%add3A_47] : memref<819200xi32, #tpu.memory_space<hbm>> -> memref<128xi32, #tpu.memory_space<hbm>>
    %dma_wait3A_53 = tpu.memref_slice %arg15[%dma_wait3A_48] : memref<2x!tpu.dma_semaphore, #tpu.memory_space<semaphore_mem>> -> memref<1x!tpu.dma_semaphore, #tpu.memory_space<semaphore_mem>>
    %dma_wait3A_54 = tpu.memref_squeeze %dma_wait3A_53 : memref<1x!tpu.dma_semaphore, #tpu.memory_space<semaphore_mem>> -> memref<!tpu.dma_semaphore, #tpu.memory_space<semaphore_mem>>
    %dma_wait3A_55 = arith.constant 0 : i32
    %dma_wait3A_56 = tpu.memref_slice %arg9[%dma_wait3A, %dma_wait3A_55] : memref<2x128xi32, #tpu.memory_space<vmem>> -> memref<1x128xi32, #tpu.memory_space<vmem>>
    %dma_wait3A_57 = tpu.memref_squeeze %dma_wait3A_56 : memref<1x128xi32, #tpu.memory_space<vmem>> -> memref<128xi32, #tpu.memory_space<vmem>>
    %dma_wait3A_58 = tpu.memref_slice %arg2[%add3A_47] : memref<819200xi32, #tpu.memory_space<hbm>> -> memref<128xi32, #tpu.memory_space<hbm>>
    tpu.wait_dma2 semaphore(%dma_wait3A_54 : memref<!tpu.dma_semaphore, #tpu.memory_space<semaphore_mem>>) src(%dma_wait3A_58 : memref<128xi32, #tpu.memory_space<hbm>>) dst(%dma_wait3A_57 : memref<128xi32, #tpu.memory_space<vmem>>)
    %dma_wait3A_59 = arith.constant 0 : i32
    %dma_wait3A_60 = arith.constant 0 : i32
    %dma_wait3A_61 = arith.constant 0 : i32
    %dma_wait3A_62 = tpu.memref_slice %arg10[%dma_wait3A_59, %dma_wait3A_61] : memref<2x128xi32, #tpu.memory_space<vmem>> -> memref<1x128xi32, #tpu.memory_space<vmem>>
    %dma_wait3A_63 = tpu.memref_squeeze %dma_wait3A_62 : memref<1x128xi32, #tpu.memory_space<vmem>> -> memref<128xi32, #tpu.memory_space<vmem>>
    %dma_wait3A_64 = tpu.memref_slice %arg3[%add3A_47] : memref<819200xi32, #tpu.memory_space<hbm>> -> memref<128xi32, #tpu.memory_space<hbm>>
    %dma_wait3A_65 = tpu.memref_slice %arg15[%dma_wait3A_60] : memref<2x!tpu.dma_semaphore, #tpu.memory_space<semaphore_mem>> -> memref<1x!tpu.dma_semaphore, #tpu.memory_space<semaphore_mem>>
    %dma_wait3A_66 = tpu.memref_squeeze %dma_wait3A_65 : memref<1x!tpu.dma_semaphore, #tpu.memory_space<semaphore_mem>> -> memref<!tpu.dma_semaphore, #tpu.memory_space<semaphore_mem>>
    %dma_wait3A_67 = arith.constant 0 : i32
    %dma_wait3A_68 = tpu.memref_slice %arg10[%dma_wait3A_59, %dma_wait3A_67] : memref<2x128xi32, #tpu.memory_space<vmem>> -> memref<1x128xi32, #tpu.memory_space<vmem>>
    %dma_wait3A_69 = tpu.memref_squeeze %dma_wait3A_68 : memref<1x128xi32, #tpu.memory_space<vmem>> -> memref<128xi32, #tpu.memory_space<vmem>>
    %dma_wait3A_70 = tpu.memref_slice %arg3[%add3A_47] : memref<819200xi32, #tpu.memory_space<hbm>> -> memref<128xi32, #tpu.memory_space<hbm>>
    tpu.wait_dma2 semaphore(%dma_wait3A_66 : memref<!tpu.dma_semaphore, #tpu.memory_space<semaphore_mem>>) src(%dma_wait3A_70 : memref<128xi32, #tpu.memory_space<hbm>>) dst(%dma_wait3A_69 : memref<128xi32, #tpu.memory_space<vmem>>)
    %dma_wait3A_71 = arith.constant 0 : i32
    %dma_wait3A_72 = arith.constant 0 : i32
    %dma_wait3A_73 = arith.constant 0 : i32
    %dma_wait3A_74 = tpu.memref_slice %arg11[%dma_wait3A_71, %dma_wait3A_73] : memref<2x128xi32, #tpu.memory_space<vmem>> -> memref<1x128xi32, #tpu.memory_space<vmem>>
    %dma_wait3A_75 = tpu.memref_squeeze %dma_wait3A_74 : memref<1x128xi32, #tpu.memory_space<vmem>> -> memref<128xi32, #tpu.memory_space<vmem>>
    %dma_wait3A_76 = tpu.memref_slice %arg4[%add3A_47] : memref<819200xi32, #tpu.memory_space<hbm>> -> memref<128xi32, #tpu.memory_space<hbm>>
    %dma_wait3A_77 = tpu.memref_slice %arg15[%dma_wait3A_72] : memref<2x!tpu.dma_semaphore, #tpu.memory_space<semaphore_mem>> -> memref<1x!tpu.dma_semaphore, #tpu.memory_space<semaphore_mem>>
    %dma_wait3A_78 = tpu.memref_squeeze %dma_wait3A_77 : memref<1x!tpu.dma_semaphore, #tpu.memory_space<semaphore_mem>> -> memref<!tpu.dma_semaphore, #tpu.memory_space<semaphore_mem>>
    %dma_wait3A_79 = arith.constant 0 : i32
    %dma_wait3A_80 = tpu.memref_slice %arg11[%dma_wait3A_71, %dma_wait3A_79] : memref<2x128xi32, #tpu.memory_space<vmem>> -> memref<1x128xi32, #tpu.memory_space<vmem>>
    %dma_wait3A_81 = tpu.memref_squeeze %dma_wait3A_80 : memref<1x128xi32, #tpu.memory_space<vmem>> -> memref<128xi32, #tpu.memory_space<vmem>>
    %dma_wait3A_82 = tpu.memref_slice %arg4[%add3A_47] : memref<819200xi32, #tpu.memory_space<hbm>> -> memref<128xi32, #tpu.memory_space<hbm>>
    tpu.wait_dma2 semaphore(%dma_wait3A_78 : memref<!tpu.dma_semaphore, #tpu.memory_space<semaphore_mem>>) src(%dma_wait3A_82 : memref<128xi32, #tpu.memory_space<hbm>>) dst(%dma_wait3A_81 : memref<128xi32, #tpu.memory_space<vmem>>)
    %dma_start3A_83 = arith.constant 0 : i32
    %dma_start3A_84 = arith.constant 0 : i32
    %dma_start3A_85 = arith.constant 0 : i32
    %dma_start3A_86 = arith.constant 0 : i32
    %dma_start3A_87 = arith.constant 0 : i32
    %dma_start3A_88 = tpu.memref_slice %arg12[%dma_start3A_84, %dma_start3A_86, %dma_start3A_87] : memref<2x128x64xf32, #tpu.memory_space<vmem>> -> memref<1x128x64xf32, #tpu.memory_space<vmem>>
    %dma_start3A_89 = tpu.memref_squeeze %dma_start3A_88 : memref<1x128x64xf32, #tpu.memory_space<vmem>> -> memref<128x64xf32, #tpu.memory_space<vmem>>
    %dma_start3A_90 = arith.constant 0 : i32
    %dma_start3A_91 = tpu.memref_slice %arg9[%dma_start3A_83, %dma_start3A_90] : memref<2x128xi32, #tpu.memory_space<vmem>> -> memref<1x128xi32, #tpu.memory_space<vmem>>
    %dma_start3A_92 = tpu.memref_squeeze %dma_start3A_91 : memref<1x128xi32, #tpu.memory_space<vmem>> -> memref<128xi32, #tpu.memory_space<vmem>>
    %dma_start3A_93 = arith.constant 0 : i32
    %dma_start3A_94 = arith.constant 0 : i32
    %dma_start3A_95 = tpu.memref_slice %arg5[%dma_start3A_93, %dma_start3A_94] : memref<1000000x64xf32, #tpu.memory_space<hbm>> -> memref<1000000x64xf32, #tpu.memory_space<hbm>>
    %dma_start3A_96 = tpu.memref_slice %arg16[%dma_start3A_85] : memref<2x!tpu.dma_semaphore, #tpu.memory_space<semaphore_mem>> -> memref<1x!tpu.dma_semaphore, #tpu.memory_space<semaphore_mem>>
    %dma_start3A_97 = tpu.memref_squeeze %dma_start3A_96 : memref<1x!tpu.dma_semaphore, #tpu.memory_space<semaphore_mem>> -> memref<!tpu.dma_semaphore, #tpu.memory_space<semaphore_mem>>
    tpu.enqueue_indirect_dma source(%dma_start3A_95 : memref<1000000x64xf32, #tpu.memory_space<hbm>>) target(%dma_start3A_89 : memref<128x64xf32, #tpu.memory_space<vmem>>) offsets(%dma_start3A_92 : memref<128xi32, #tpu.memory_space<vmem>>) semaphore(%dma_start3A_97 : memref<!tpu.dma_semaphore, #tpu.memory_space<semaphore_mem>>)
    %add3A_98 = arith.constant 128 : i32
    %add3A_99 = arith.addi %mul3A_2, %add3A_98 : i32
    %dma_start3A_100 = arith.constant 1 : i32
    %dma_start3A_101 = arith.constant 1 : i32
    %dma_start3A_102 = arith.constant 0 : i32
    %dma_start3A_103 = tpu.memref_slice %arg9[%dma_start3A_100, %dma_start3A_102] : memref<2x128xi32, #tpu.memory_space<vmem>> -> memref<1x128xi32, #tpu.memory_space<vmem>>
    %dma_start3A_104 = tpu.memref_squeeze %dma_start3A_103 : memref<1x128xi32, #tpu.memory_space<vmem>> -> memref<128xi32, #tpu.memory_space<vmem>>
    %dma_start3A_105 = tpu.memref_slice %arg2[%add3A_99] : memref<819200xi32, #tpu.memory_space<hbm>> -> memref<128xi32, #tpu.memory_space<hbm>>
    %dma_start3A_106 = tpu.memref_slice %arg15[%dma_start3A_101] : memref<2x!tpu.dma_semaphore, #tpu.memory_space<semaphore_mem>> -> memref<1x!tpu.dma_semaphore, #tpu.memory_space<semaphore_mem>>
    %dma_start3A_107 = tpu.memref_squeeze %dma_start3A_106 : memref<1x!tpu.dma_semaphore, #tpu.memory_space<semaphore_mem>> -> memref<!tpu.dma_semaphore, #tpu.memory_space<semaphore_mem>>
    %dma_start3A_108 = arith.constant 0 : i32
    %dma_start3A_109 = tpu.memref_slice %arg9[%dma_start3A_100, %dma_start3A_108] : memref<2x128xi32, #tpu.memory_space<vmem>> -> memref<1x128xi32, #tpu.memory_space<vmem>>
    %dma_start3A_110 = tpu.memref_squeeze %dma_start3A_109 : memref<1x128xi32, #tpu.memory_space<vmem>> -> memref<128xi32, #tpu.memory_space<vmem>>
    %dma_start3A_111 = tpu.memref_slice %arg2[%add3A_99] : memref<819200xi32, #tpu.memory_space<hbm>> -> memref<128xi32, #tpu.memory_space<hbm>>
    tpu.enqueue_dma source(%dma_start3A_111 : memref<128xi32, #tpu.memory_space<hbm>>) target(%dma_start3A_110 : memref<128xi32, #tpu.memory_space<vmem>>) target_semaphore(%dma_start3A_107 : memref<!tpu.dma_semaphore, #tpu.memory_space<semaphore_mem>>)
    %add3A_112 = arith.constant 128 : i32
    %add3A_113 = arith.addi %mul3A_2, %add3A_112 : i32
    %dma_start3A_114 = arith.constant 1 : i32
    %dma_start3A_115 = arith.constant 1 : i32
    %dma_start3A_116 = arith.constant 0 : i32
    %dma_start3A_117 = tpu.memref_slice %arg10[%dma_start3A_114, %dma_start3A_116] : memref<2x128xi32, #tpu.memory_space<vmem>> -> memref<1x128xi32, #tpu.memory_space<vmem>>
    %dma_start3A_118 = tpu.memref_squeeze %dma_start3A_117 : memref<1x128xi32, #tpu.memory_space<vmem>> -> memref<128xi32, #tpu.memory_space<vmem>>
    %dma_start3A_119 = tpu.memref_slice %arg3[%add3A_113] : memref<819200xi32, #tpu.memory_space<hbm>> -> memref<128xi32, #tpu.memory_space<hbm>>
    %dma_start3A_120 = tpu.memref_slice %arg15[%dma_start3A_115] : memref<2x!tpu.dma_semaphore, #tpu.memory_space<semaphore_mem>> -> memref<1x!tpu.dma_semaphore, #tpu.memory_space<semaphore_mem>>
    %dma_start3A_121 = tpu.memref_squeeze %dma_start3A_120 : memref<1x!tpu.dma_semaphore, #tpu.memory_space<semaphore_mem>> -> memref<!tpu.dma_semaphore, #tpu.memory_space<semaphore_mem>>
    %dma_start3A_122 = arith.constant 0 : i32
    %dma_start3A_123 = tpu.memref_slice %arg10[%dma_start3A_114, %dma_start3A_122] : memref<2x128xi32, #tpu.memory_space<vmem>> -> memref<1x128xi32, #tpu.memory_space<vmem>>
    %dma_start3A_124 = tpu.memref_squeeze %dma_start3A_123 : memref<1x128xi32, #tpu.memory_space<vmem>> -> memref<128xi32, #tpu.memory_space<vmem>>
    %dma_start3A_125 = tpu.memref_slice %arg3[%add3A_113] : memref<819200xi32, #tpu.memory_space<hbm>> -> memref<128xi32, #tpu.memory_space<hbm>>
    tpu.enqueue_dma source(%dma_start3A_125 : memref<128xi32, #tpu.memory_space<hbm>>) target(%dma_start3A_124 : memref<128xi32, #tpu.memory_space<vmem>>) target_semaphore(%dma_start3A_121 : memref<!tpu.dma_semaphore, #tpu.memory_space<semaphore_mem>>)
    %add3A_126 = arith.constant 128 : i32
    %add3A_127 = arith.addi %mul3A_2, %add3A_126 : i32
    %dma_start3A_128 = arith.constant 1 : i32
    %dma_start3A_129 = arith.constant 1 : i32
    %dma_start3A_130 = arith.constant 0 : i32
    %dma_start3A_131 = tpu.memref_slice %arg11[%dma_start3A_128, %dma_start3A_130] : memref<2x128xi32, #tpu.memory_space<vmem>> -> memref<1x128xi32, #tpu.memory_space<vmem>>
    %dma_start3A_132 = tpu.memref_squeeze %dma_start3A_131 : memref<1x128xi32, #tpu.memory_space<vmem>> -> memref<128xi32, #tpu.memory_space<vmem>>
    %dma_start3A_133 = tpu.memref_slice %arg4[%add3A_127] : memref<819200xi32, #tpu.memory_space<hbm>> -> memref<128xi32, #tpu.memory_space<hbm>>
    %dma_start3A_134 = tpu.memref_slice %arg15[%dma_start3A_129] : memref<2x!tpu.dma_semaphore, #tpu.memory_space<semaphore_mem>> -> memref<1x!tpu.dma_semaphore, #tpu.memory_space<semaphore_mem>>
    %dma_start3A_135 = tpu.memref_squeeze %dma_start3A_134 : memref<1x!tpu.dma_semaphore, #tpu.memory_space<semaphore_mem>> -> memref<!tpu.dma_semaphore, #tpu.memory_space<semaphore_mem>>
    %dma_start3A_136 = arith.constant 0 : i32
    %dma_start3A_137 = tpu.memref_slice %arg11[%dma_start3A_128, %dma_start3A_136] : memref<2x128xi32, #tpu.memory_space<vmem>> -> memref<1x128xi32, #tpu.memory_space<vmem>>
    %dma_start3A_138 = tpu.memref_squeeze %dma_start3A_137 : memref<1x128xi32, #tpu.memory_space<vmem>> -> memref<128xi32, #tpu.memory_space<vmem>>
    %dma_start3A_139 = tpu.memref_slice %arg4[%add3A_127] : memref<819200xi32, #tpu.memory_space<hbm>> -> memref<128xi32, #tpu.memory_space<hbm>>
    tpu.enqueue_dma source(%dma_start3A_139 : memref<128xi32, #tpu.memory_space<hbm>>) target(%dma_start3A_138 : memref<128xi32, #tpu.memory_space<vmem>>) target_semaphore(%dma_start3A_135 : memref<!tpu.dma_semaphore, #tpu.memory_space<semaphore_mem>>)
    %scan3A = arith.constant 0 : i32
    %scan3A_140 = arith.constant 0 : i32
    %scan3A_141 = arith.constant 100 : i32
    %scan3A_142 = arith.addi %scan3A_140, %scan3A_141 : i32
    %scan3A_143 = arith.constant 1 : i32
    %scan3A_144 = scf.for %scan3A_164 = %scan3A_140 to %scan3A_142 step %scan3A_143 iter_args(%scan3A_165 = %scan3A) -> (i32)  : i32 {
      %mul3A_166 = arith.constant 2 : i32
      %mul3A_167 = arith.muli %scan3A_164, %mul3A_166 : i32
      %gt3A = arith.constant 0 : i32
      %gt3A_168 = arith.cmpi sgt, %mul3A_167, %gt3A : i32
      %convert_element_type3A_169 = arith.extui %gt3A_168 : i1 to i32
      %cond3A_170 = arith.constant 0 : i32
      %cond3A_171 = arith.cmpi ne, %convert_element_type3A_169, %cond3A_170 : i32
      scf.if %cond3A_171 {
        %sub3A = arith.constant 1 : i32
        %sub3A_399 = arith.subi %mul3A_167, %sub3A : i32
        %mul3A_400 = arith.constant 128 : i32
        %mul3A_401 = arith.muli %sub3A_399, %mul3A_400 : i32
        %add3A_402 = arith.addi %mul3A_2, %mul3A_401 : i32
        %dma_wait3A_403 = arith.constant 1 : i32
        %dma_wait3A_404 = arith.constant 1 : i32
        %dma_wait3A_405 = arith.constant 0 : i32
        %dma_wait3A_406 = arith.constant 0 : i32
        %dma_wait3A_407 = tpu.memref_slice %arg12[%dma_wait3A_403, %dma_wait3A_405, %dma_wait3A_406] : memref<2x128x64xf32, #tpu.memory_space<vmem>> -> memref<1x128x64xf32, #tpu.memory_space<vmem>>
        %dma_wait3A_408 = tpu.memref_squeeze %dma_wait3A_407 : memref<1x128x64xf32, #tpu.memory_space<vmem>> -> memref<128x64xf32, #tpu.memory_space<vmem>>
        %dma_wait3A_409 = arith.constant 0 : i32
        %dma_wait3A_410 = tpu.memref_slice %arg8[%add3A_402, %dma_wait3A_409] : memref<819200x64xf32, #tpu.memory_space<hbm>> -> memref<128x64xf32, #tpu.memory_space<hbm>>
        %dma_wait3A_411 = tpu.memref_slice %arg18[%dma_wait3A_404] : memref<2x!tpu.dma_semaphore, #tpu.memory_space<semaphore_mem>> -> memref<1x!tpu.dma_semaphore, #tpu.memory_space<semaphore_mem>>
        %dma_wait3A_412 = tpu.memref_squeeze %dma_wait3A_411 : memref<1x!tpu.dma_semaphore, #tpu.memory_space<semaphore_mem>> -> memref<!tpu.dma_semaphore, #tpu.memory_space<semaphore_mem>>
        %dma_wait3A_413 = arith.constant 0 : i32
        %dma_wait3A_414 = tpu.memref_slice %arg8[%add3A_402, %dma_wait3A_413] : memref<819200x64xf32, #tpu.memory_space<hbm>> -> memref<128x64xf32, #tpu.memory_space<hbm>>
        %dma_wait3A_415 = arith.constant 0 : i32
        %dma_wait3A_416 = arith.constant 0 : i32
        %dma_wait3A_417 = tpu.memref_slice %arg12[%dma_wait3A_403, %dma_wait3A_415, %dma_wait3A_416] : memref<2x128x64xf32, #tpu.memory_space<vmem>> -> memref<1x128x64xf32, #tpu.memory_space<vmem>>
        %dma_wait3A_418 = tpu.memref_squeeze %dma_wait3A_417 : memref<1x128x64xf32, #tpu.memory_space<vmem>> -> memref<128x64xf32, #tpu.memory_space<vmem>>
        tpu.wait_dma2 semaphore(%dma_wait3A_412 : memref<!tpu.dma_semaphore, #tpu.memory_space<semaphore_mem>>) src(%dma_wait3A_418 : memref<128x64xf32, #tpu.memory_space<vmem>>) dst(%dma_wait3A_414 : memref<128x64xf32, #tpu.memory_space<hbm>>)
      } else {
      }
      %lt3A = arith.constant 199 : i32
      %lt3A_172 = arith.cmpi slt, %mul3A_167, %lt3A : i32
      %convert_element_type3A_173 = arith.extui %lt3A_172 : i1 to i32
      %cond3A_174 = arith.constant 0 : i32
      %cond3A_175 = arith.cmpi ne, %convert_element_type3A_173, %cond3A_174 : i32
      scf.if %cond3A_175 {
        %add3A_399 = arith.constant 1 : i32
        %add3A_400 = arith.addi %mul3A_167, %add3A_399 : i32
        %mul3A_401 = arith.constant 128 : i32
        %mul3A_402 = arith.muli %add3A_400, %mul3A_401 : i32
        %add3A_403 = arith.addi %mul3A_2, %mul3A_402 : i32
        %dma_wait3A_404 = arith.constant 1 : i32
        %dma_wait3A_405 = arith.constant 1 : i32
        %dma_wait3A_406 = arith.constant 0 : i32
        %dma_wait3A_407 = tpu.memref_slice %arg9[%dma_wait3A_404, %dma_wait3A_406] : memref<2x128xi32, #tpu.memory_space<vmem>> -> memref<1x128xi32, #tpu.memory_space<vmem>>
        %dma_wait3A_408 = tpu.memref_squeeze %dma_wait3A_407 : memref<1x128xi32, #tpu.memory_space<vmem>> -> memref<128xi32, #tpu.memory_space<vmem>>
        %dma_wait3A_409 = tpu.memref_slice %arg2[%add3A_403] : memref<819200xi32, #tpu.memory_space<hbm>> -> memref<128xi32, #tpu.memory_space<hbm>>
        %dma_wait3A_410 = tpu.memref_slice %arg15[%dma_wait3A_405] : memref<2x!tpu.dma_semaphore, #tpu.memory_space<semaphore_mem>> -> memref<1x!tpu.dma_semaphore, #tpu.memory_space<semaphore_mem>>
        %dma_wait3A_411 = tpu.memref_squeeze %dma_wait3A_410 : memref<1x!tpu.dma_semaphore, #tpu.memory_space<semaphore_mem>> -> memref<!tpu.dma_semaphore, #tpu.memory_space<semaphore_mem>>
        %dma_wait3A_412 = arith.constant 0 : i32
        %dma_wait3A_413 = tpu.memref_slice %arg9[%dma_wait3A_404, %dma_wait3A_412] : memref<2x128xi32, #tpu.memory_space<vmem>> -> memref<1x128xi32, #tpu.memory_space<vmem>>
        %dma_wait3A_414 = tpu.memref_squeeze %dma_wait3A_413 : memref<1x128xi32, #tpu.memory_space<vmem>> -> memref<128xi32, #tpu.memory_space<vmem>>
        %dma_wait3A_415 = tpu.memref_slice %arg2[%add3A_403] : memref<819200xi32, #tpu.memory_space<hbm>> -> memref<128xi32, #tpu.memory_space<hbm>>
        tpu.wait_dma2 semaphore(%dma_wait3A_411 : memref<!tpu.dma_semaphore, #tpu.memory_space<semaphore_mem>>) src(%dma_wait3A_415 : memref<128xi32, #tpu.memory_space<hbm>>) dst(%dma_wait3A_414 : memref<128xi32, #tpu.memory_space<vmem>>)
        %dma_wait3A_416 = arith.constant 1 : i32
        %dma_wait3A_417 = arith.constant 1 : i32
        %dma_wait3A_418 = arith.constant 0 : i32
        %dma_wait3A_419 = tpu.memref_slice %arg10[%dma_wait3A_416, %dma_wait3A_418] : memref<2x128xi32, #tpu.memory_space<vmem>> -> memref<1x128xi32, #tpu.memory_space<vmem>>
        %dma_wait3A_420 = tpu.memref_squeeze %dma_wait3A_419 : memref<1x128xi32, #tpu.memory_space<vmem>> -> memref<128xi32, #tpu.memory_space<vmem>>
        %dma_wait3A_421 = tpu.memref_slice %arg3[%add3A_403] : memref<819200xi32, #tpu.memory_space<hbm>> -> memref<128xi32, #tpu.memory_space<hbm>>
        %dma_wait3A_422 = tpu.memref_slice %arg15[%dma_wait3A_417] : memref<2x!tpu.dma_semaphore, #tpu.memory_space<semaphore_mem>> -> memref<1x!tpu.dma_semaphore, #tpu.memory_space<semaphore_mem>>
        %dma_wait3A_423 = tpu.memref_squeeze %dma_wait3A_422 : memref<1x!tpu.dma_semaphore, #tpu.memory_space<semaphore_mem>> -> memref<!tpu.dma_semaphore, #tpu.memory_space<semaphore_mem>>
        %dma_wait3A_424 = arith.constant 0 : i32
        %dma_wait3A_425 = tpu.memref_slice %arg10[%dma_wait3A_416, %dma_wait3A_424] : memref<2x128xi32, #tpu.memory_space<vmem>> -> memref<1x128xi32, #tpu.memory_space<vmem>>
        %dma_wait3A_426 = tpu.memref_squeeze %dma_wait3A_425 : memref<1x128xi32, #tpu.memory_space<vmem>> -> memref<128xi32, #tpu.memory_space<vmem>>
        %dma_wait3A_427 = tpu.memref_slice %arg3[%add3A_403] : memref<819200xi32, #tpu.memory_space<hbm>> -> memref<128xi32, #tpu.memory_space<hbm>>
        tpu.wait_dma2 semaphore(%dma_wait3A_423 : memref<!tpu.dma_semaphore, #tpu.memory_space<semaphore_mem>>) src(%dma_wait3A_427 : memref<128xi32, #tpu.memory_space<hbm>>) dst(%dma_wait3A_426 : memref<128xi32, #tpu.memory_space<vmem>>)
        %dma_wait3A_428 = arith.constant 1 : i32
        %dma_wait3A_429 = arith.constant 1 : i32
        %dma_wait3A_430 = arith.constant 0 : i32
        %dma_wait3A_431 = tpu.memref_slice %arg11[%dma_wait3A_428, %dma_wait3A_430] : memref<2x128xi32, #tpu.memory_space<vmem>> -> memref<1x128xi32, #tpu.memory_space<vmem>>
        %dma_wait3A_432 = tpu.memref_squeeze %dma_wait3A_431 : memref<1x128xi32, #tpu.memory_space<vmem>> -> memref<128xi32, #tpu.memory_space<vmem>>
        %dma_wait3A_433 = tpu.memref_slice %arg4[%add3A_403] : memref<819200xi32, #tpu.memory_space<hbm>> -> memref<128xi32, #tpu.memory_space<hbm>>
        %dma_wait3A_434 = tpu.memref_slice %arg15[%dma_wait3A_429] : memref<2x!tpu.dma_semaphore, #tpu.memory_space<semaphore_mem>> -> memref<1x!tpu.dma_semaphore, #tpu.memory_space<semaphore_mem>>
        %dma_wait3A_435 = tpu.memref_squeeze %dma_wait3A_434 : memref<1x!tpu.dma_semaphore, #tpu.memory_space<semaphore_mem>> -> memref<!tpu.dma_semaphore, #tpu.memory_space<semaphore_mem>>
        %dma_wait3A_436 = arith.constant 0 : i32
        %dma_wait3A_437 = tpu.memref_slice %arg11[%dma_wait3A_428, %dma_wait3A_436] : memref<2x128xi32, #tpu.memory_space<vmem>> -> memref<1x128xi32, #tpu.memory_space<vmem>>
        %dma_wait3A_438 = tpu.memref_squeeze %dma_wait3A_437 : memref<1x128xi32, #tpu.memory_space<vmem>> -> memref<128xi32, #tpu.memory_space<vmem>>
        %dma_wait3A_439 = tpu.memref_slice %arg4[%add3A_403] : memref<819200xi32, #tpu.memory_space<hbm>> -> memref<128xi32, #tpu.memory_space<hbm>>
        tpu.wait_dma2 semaphore(%dma_wait3A_435 : memref<!tpu.dma_semaphore, #tpu.memory_space<semaphore_mem>>) src(%dma_wait3A_439 : memref<128xi32, #tpu.memory_space<hbm>>) dst(%dma_wait3A_438 : memref<128xi32, #tpu.memory_space<vmem>>)
        %dma_start3A_440 = arith.constant 1 : i32
        %dma_start3A_441 = arith.constant 1 : i32
        %dma_start3A_442 = arith.constant 1 : i32
        %dma_start3A_443 = arith.constant 0 : i32
        %dma_start3A_444 = arith.constant 0 : i32
        %dma_start3A_445 = tpu.memref_slice %arg12[%dma_start3A_441, %dma_start3A_443, %dma_start3A_444] : memref<2x128x64xf32, #tpu.memory_space<vmem>> -> memref<1x128x64xf32, #tpu.memory_space<vmem>>
        %dma_start3A_446 = tpu.memref_squeeze %dma_start3A_445 : memref<1x128x64xf32, #tpu.memory_space<vmem>> -> memref<128x64xf32, #tpu.memory_space<vmem>>
        %dma_start3A_447 = arith.constant 0 : i32
        %dma_start3A_448 = tpu.memref_slice %arg9[%dma_start3A_440, %dma_start3A_447] : memref<2x128xi32, #tpu.memory_space<vmem>> -> memref<1x128xi32, #tpu.memory_space<vmem>>
        %dma_start3A_449 = tpu.memref_squeeze %dma_start3A_448 : memref<1x128xi32, #tpu.memory_space<vmem>> -> memref<128xi32, #tpu.memory_space<vmem>>
        %dma_start3A_450 = arith.constant 0 : i32
        %dma_start3A_451 = arith.constant 0 : i32
        %dma_start3A_452 = tpu.memref_slice %arg5[%dma_start3A_450, %dma_start3A_451] : memref<1000000x64xf32, #tpu.memory_space<hbm>> -> memref<1000000x64xf32, #tpu.memory_space<hbm>>
        %dma_start3A_453 = tpu.memref_slice %arg16[%dma_start3A_442] : memref<2x!tpu.dma_semaphore, #tpu.memory_space<semaphore_mem>> -> memref<1x!tpu.dma_semaphore, #tpu.memory_space<semaphore_mem>>
        %dma_start3A_454 = tpu.memref_squeeze %dma_start3A_453 : memref<1x!tpu.dma_semaphore, #tpu.memory_space<semaphore_mem>> -> memref<!tpu.dma_semaphore, #tpu.memory_space<semaphore_mem>>
        tpu.enqueue_indirect_dma source(%dma_start3A_452 : memref<1000000x64xf32, #tpu.memory_space<hbm>>) target(%dma_start3A_446 : memref<128x64xf32, #tpu.memory_space<vmem>>) offsets(%dma_start3A_449 : memref<128xi32, #tpu.memory_space<vmem>>) semaphore(%dma_start3A_454 : memref<!tpu.dma_semaphore, #tpu.memory_space<semaphore_mem>>)
      } else {
      }
      %dma_wait3A_176 = arith.constant 0 : i32
      %dma_wait3A_177 = arith.constant 0 : i32
      %dma_wait3A_178 = arith.constant 0 : i32
      %dma_wait3A_179 = arith.constant 0 : i32
      %dma_wait3A_180 = arith.constant 0 : i32
      %dma_wait3A_181 = tpu.memref_slice %arg12[%dma_wait3A_177, %dma_wait3A_179, %dma_wait3A_180] : memref<2x128x64xf32, #tpu.memory_space<vmem>> -> memref<1x128x64xf32, #tpu.memory_space<vmem>>
      %dma_wait3A_182 = tpu.memref_squeeze %dma_wait3A_181 : memref<1x128x64xf32, #tpu.memory_space<vmem>> -> memref<128x64xf32, #tpu.memory_space<vmem>>
      %dma_wait3A_183 = arith.constant 0 : i32
      %dma_wait3A_184 = tpu.memref_slice %arg9[%dma_wait3A_176, %dma_wait3A_183] : memref<2x128xi32, #tpu.memory_space<vmem>> -> memref<1x128xi32, #tpu.memory_space<vmem>>
      %dma_wait3A_185 = tpu.memref_squeeze %dma_wait3A_184 : memref<1x128xi32, #tpu.memory_space<vmem>> -> memref<128xi32, #tpu.memory_space<vmem>>
      %dma_wait3A_186 = arith.constant 0 : i32
      %dma_wait3A_187 = arith.constant 0 : i32
      %dma_wait3A_188 = tpu.memref_slice %arg5[%dma_wait3A_186, %dma_wait3A_187] : memref<1000000x64xf32, #tpu.memory_space<hbm>> -> memref<1000000x64xf32, #tpu.memory_space<hbm>>
      %dma_wait3A_189 = tpu.memref_slice %arg16[%dma_wait3A_178] : memref<2x!tpu.dma_semaphore, #tpu.memory_space<semaphore_mem>> -> memref<1x!tpu.dma_semaphore, #tpu.memory_space<semaphore_mem>>
      %dma_wait3A_190 = tpu.memref_squeeze %dma_wait3A_189 : memref<1x!tpu.dma_semaphore, #tpu.memory_space<semaphore_mem>> -> memref<!tpu.dma_semaphore, #tpu.memory_space<semaphore_mem>>
      tpu.wait_indirect_dma semaphore(%dma_wait3A_190 : memref<!tpu.dma_semaphore, #tpu.memory_space<semaphore_mem>>) src(%dma_wait3A_188 : memref<1000000x64xf32, #tpu.memory_space<hbm>>) dst(%dma_wait3A_182 : memref<128x64xf32, #tpu.memory_space<vmem>>)
      %dma_start3A_191 = arith.constant 0 : i32
      %dma_start3A_192 = arith.constant 0 : i32
      %dma_start3A_193 = arith.constant 0 : i32
      %dma_start3A_194 = arith.constant 0 : i32
      %dma_start3A_195 = arith.constant 0 : i32
      %dma_start3A_196 = tpu.memref_slice %arg12[%dma_start3A_192, %dma_start3A_194, %dma_start3A_195] : memref<2x128x64xf32, #tpu.memory_space<vmem>> -> memref<1x128x64xf32, #tpu.memory_space<vmem>>
      %dma_start3A_197 = tpu.memref_squeeze %dma_start3A_196 : memref<1x128x64xf32, #tpu.memory_space<vmem>> -> memref<128x64xf32, #tpu.memory_space<vmem>>
      %dma_start3A_198 = arith.constant 0 : i32
      %dma_start3A_199 = tpu.memref_slice %arg10[%dma_start3A_191, %dma_start3A_198] : memref<2x128xi32, #tpu.memory_space<vmem>> -> memref<1x128xi32, #tpu.memory_space<vmem>>
      %dma_start3A_200 = tpu.memref_squeeze %dma_start3A_199 : memref<1x128xi32, #tpu.memory_space<vmem>> -> memref<128xi32, #tpu.memory_space<vmem>>
      %dma_start3A_201 = arith.constant 0 : i32
      %dma_start3A_202 = arith.constant 0 : i32
      %dma_start3A_203 = tpu.memref_slice %arg13[%dma_start3A_201, %dma_start3A_202] : memref<512x64xf32, #tpu.memory_space<vmem_shared>> -> memref<512x64xf32, #tpu.memory_space<vmem_shared>>
      %dma_start3A_204 = tpu.memref_slice %arg17[%dma_start3A_193] : memref<2x!tpu.dma_semaphore, #tpu.memory_space<semaphore_mem>> -> memref<1x!tpu.dma_semaphore, #tpu.memory_space<semaphore_mem>>
      %dma_start3A_205 = tpu.memref_squeeze %dma_start3A_204 : memref<1x!tpu.dma_semaphore, #tpu.memory_space<semaphore_mem>> -> memref<!tpu.dma_semaphore, #tpu.memory_space<semaphore_mem>>
      tpu.enqueue_indirect_dma source(%dma_start3A_203 : memref<512x64xf32, #tpu.memory_space<vmem_shared>>) target(%dma_start3A_197 : memref<128x64xf32, #tpu.memory_space<vmem>>) offsets(%dma_start3A_200 : memref<128xi32, #tpu.memory_space<vmem>>) semaphore(%dma_start3A_205 : memref<!tpu.dma_semaphore, #tpu.memory_space<semaphore_mem>>) {add = true}
      %dma_start3A_206 = arith.constant 0 : i32
      %dma_start3A_207 = arith.constant 0 : i32
      %dma_start3A_208 = arith.constant 0 : i32
      %dma_start3A_209 = arith.constant 0 : i32
      %dma_start3A_210 = arith.constant 0 : i32
      %dma_start3A_211 = tpu.memref_slice %arg12[%dma_start3A_207, %dma_start3A_209, %dma_start3A_210] : memref<2x128x64xf32, #tpu.memory_space<vmem>> -> memref<1x128x64xf32, #tpu.memory_space<vmem>>
      %dma_start3A_212 = tpu.memref_squeeze %dma_start3A_211 : memref<1x128x64xf32, #tpu.memory_space<vmem>> -> memref<128x64xf32, #tpu.memory_space<vmem>>
      %dma_start3A_213 = arith.constant 0 : i32
      %dma_start3A_214 = tpu.memref_slice %arg11[%dma_start3A_206, %dma_start3A_213] : memref<2x128xi32, #tpu.memory_space<vmem>> -> memref<1x128xi32, #tpu.memory_space<vmem>>
      %dma_start3A_215 = tpu.memref_squeeze %dma_start3A_214 : memref<1x128xi32, #tpu.memory_space<vmem>> -> memref<128xi32, #tpu.memory_space<vmem>>
      %dma_start3A_216 = arith.constant 0 : i32
      %dma_start3A_217 = arith.constant 0 : i32
      %dma_start3A_218 = tpu.memref_slice %arg14[%dma_start3A_216, %dma_start3A_217] : memref<512x64xf32, #tpu.memory_space<vmem_shared>> -> memref<512x64xf32, #tpu.memory_space<vmem_shared>>
      %dma_start3A_219 = tpu.memref_slice %arg17[%dma_start3A_208] : memref<2x!tpu.dma_semaphore, #tpu.memory_space<semaphore_mem>> -> memref<1x!tpu.dma_semaphore, #tpu.memory_space<semaphore_mem>>
      %dma_start3A_220 = tpu.memref_squeeze %dma_start3A_219 : memref<1x!tpu.dma_semaphore, #tpu.memory_space<semaphore_mem>> -> memref<!tpu.dma_semaphore, #tpu.memory_space<semaphore_mem>>
      tpu.enqueue_indirect_dma source(%dma_start3A_218 : memref<512x64xf32, #tpu.memory_space<vmem_shared>>) target(%dma_start3A_212 : memref<128x64xf32, #tpu.memory_space<vmem>>) offsets(%dma_start3A_215 : memref<128xi32, #tpu.memory_space<vmem>>) semaphore(%dma_start3A_220 : memref<!tpu.dma_semaphore, #tpu.memory_space<semaphore_mem>>) {add = true}
      %lt3A_221 = arith.constant 198 : i32
      %lt3A_222 = arith.cmpi slt, %mul3A_167, %lt3A_221 : i32
      %convert_element_type3A_223 = arith.extui %lt3A_222 : i1 to i32
      %cond3A_224 = arith.constant 0 : i32
      %cond3A_225 = arith.cmpi ne, %convert_element_type3A_223, %cond3A_224 : i32
      scf.if %cond3A_225 {
        %add3A_399 = arith.constant 2 : i32
        %add3A_400 = arith.addi %mul3A_167, %add3A_399 : i32
        %mul3A_401 = arith.constant 128 : i32
        %mul3A_402 = arith.muli %add3A_400, %mul3A_401 : i32
        %add3A_403 = arith.addi %mul3A_2, %mul3A_402 : i32
        %dma_start3A_404 = arith.constant 0 : i32
        %dma_start3A_405 = arith.constant 0 : i32
        %dma_start3A_406 = arith.constant 0 : i32
        %dma_start3A_407 = tpu.memref_slice %arg9[%dma_start3A_404, %dma_start3A_406] : memref<2x128xi32, #tpu.memory_space<vmem>> -> memref<1x128xi32, #tpu.memory_space<vmem>>
        %dma_start3A_408 = tpu.memref_squeeze %dma_start3A_407 : memref<1x128xi32, #tpu.memory_space<vmem>> -> memref<128xi32, #tpu.memory_space<vmem>>
        %dma_start3A_409 = tpu.memref_slice %arg2[%add3A_403] : memref<819200xi32, #tpu.memory_space<hbm>> -> memref<128xi32, #tpu.memory_space<hbm>>
        %dma_start3A_410 = tpu.memref_slice %arg15[%dma_start3A_405] : memref<2x!tpu.dma_semaphore, #tpu.memory_space<semaphore_mem>> -> memref<1x!tpu.dma_semaphore, #tpu.memory_space<semaphore_mem>>
        %dma_start3A_411 = tpu.memref_squeeze %dma_start3A_410 : memref<1x!tpu.dma_semaphore, #tpu.memory_space<semaphore_mem>> -> memref<!tpu.dma_semaphore, #tpu.memory_space<semaphore_mem>>
        %dma_start3A_412 = arith.constant 0 : i32
        %dma_start3A_413 = tpu.memref_slice %arg9[%dma_start3A_404, %dma_start3A_412] : memref<2x128xi32, #tpu.memory_space<vmem>> -> memref<1x128xi32, #tpu.memory_space<vmem>>
        %dma_start3A_414 = tpu.memref_squeeze %dma_start3A_413 : memref<1x128xi32, #tpu.memory_space<vmem>> -> memref<128xi32, #tpu.memory_space<vmem>>
        %dma_start3A_415 = tpu.memref_slice %arg2[%add3A_403] : memref<819200xi32, #tpu.memory_space<hbm>> -> memref<128xi32, #tpu.memory_space<hbm>>
        tpu.enqueue_dma source(%dma_start3A_415 : memref<128xi32, #tpu.memory_space<hbm>>) target(%dma_start3A_414 : memref<128xi32, #tpu.memory_space<vmem>>) target_semaphore(%dma_start3A_411 : memref<!tpu.dma_semaphore, #tpu.memory_space<semaphore_mem>>)
      } else {
      }
      %dma_wait3A_226 = arith.constant 0 : i32
      %dma_wait3A_227 = arith.constant 0 : i32
      %dma_wait3A_228 = arith.constant 0 : i32
      %dma_wait3A_229 = arith.constant 0 : i32
      %dma_wait3A_230 = arith.constant 0 : i32
      %dma_wait3A_231 = tpu.memref_slice %arg12[%dma_wait3A_227, %dma_wait3A_229, %dma_wait3A_230] : memref<2x128x64xf32, #tpu.memory_space<vmem>> -> memref<1x128x64xf32, #tpu.memory_space<vmem>>
      %dma_wait3A_232 = tpu.memref_squeeze %dma_wait3A_231 : memref<1x128x64xf32, #tpu.memory_space<vmem>> -> memref<128x64xf32, #tpu.memory_space<vmem>>
      %dma_wait3A_233 = arith.constant 0 : i32
      %dma_wait3A_234 = tpu.memref_slice %arg10[%dma_wait3A_226, %dma_wait3A_233] : memref<2x128xi32, #tpu.memory_space<vmem>> -> memref<1x128xi32, #tpu.memory_space<vmem>>
      %dma_wait3A_235 = tpu.memref_squeeze %dma_wait3A_234 : memref<1x128xi32, #tpu.memory_space<vmem>> -> memref<128xi32, #tpu.memory_space<vmem>>
      %dma_wait3A_236 = arith.constant 0 : i32
      %dma_wait3A_237 = arith.constant 0 : i32
      %dma_wait3A_238 = tpu.memref_slice %arg13[%dma_wait3A_236, %dma_wait3A_237] : memref<512x64xf32, #tpu.memory_space<vmem_shared>> -> memref<512x64xf32, #tpu.memory_space<vmem_shared>>
      %dma_wait3A_239 = tpu.memref_slice %arg17[%dma_wait3A_228] : memref<2x!tpu.dma_semaphore, #tpu.memory_space<semaphore_mem>> -> memref<1x!tpu.dma_semaphore, #tpu.memory_space<semaphore_mem>>
      %dma_wait3A_240 = tpu.memref_squeeze %dma_wait3A_239 : memref<1x!tpu.dma_semaphore, #tpu.memory_space<semaphore_mem>> -> memref<!tpu.dma_semaphore, #tpu.memory_space<semaphore_mem>>
      tpu.wait_indirect_dma semaphore(%dma_wait3A_240 : memref<!tpu.dma_semaphore, #tpu.memory_space<semaphore_mem>>) src(%dma_wait3A_238 : memref<512x64xf32, #tpu.memory_space<vmem_shared>>) dst(%dma_wait3A_232 : memref<128x64xf32, #tpu.memory_space<vmem>>)
      %dma_wait3A_241 = arith.constant 0 : i32
      %dma_wait3A_242 = arith.constant 0 : i32
      %dma_wait3A_243 = arith.constant 0 : i32
      %dma_wait3A_244 = arith.constant 0 : i32
      %dma_wait3A_245 = arith.constant 0 : i32
      %dma_wait3A_246 = tpu.memref_slice %arg12[%dma_wait3A_242, %dma_wait3A_244, %dma_wait3A_245] : memref<2x128x64xf32, #tpu.memory_space<vmem>> -> memref<1x128x64xf32, #tpu.memory_space<vmem>>
      %dma_wait3A_247 = tpu.memref_squeeze %dma_wait3A_246 : memref<1x128x64xf32, #tpu.memory_space<vmem>> -> memref<128x64xf32, #tpu.memory_space<vmem>>
      %dma_wait3A_248 = arith.constant 0 : i32
      %dma_wait3A_249 = tpu.memref_slice %arg11[%dma_wait3A_241, %dma_wait3A_248] : memref<2x128xi32, #tpu.memory_space<vmem>> -> memref<1x128xi32, #tpu.memory_space<vmem>>
      %dma_wait3A_250 = tpu.memref_squeeze %dma_wait3A_249 : memref<1x128xi32, #tpu.memory_space<vmem>> -> memref<128xi32, #tpu.memory_space<vmem>>
      %dma_wait3A_251 = arith.constant 0 : i32
      %dma_wait3A_252 = arith.constant 0 : i32
      %dma_wait3A_253 = tpu.memref_slice %arg14[%dma_wait3A_251, %dma_wait3A_252] : memref<512x64xf32, #tpu.memory_space<vmem_shared>> -> memref<512x64xf32, #tpu.memory_space<vmem_shared>>
      %dma_wait3A_254 = tpu.memref_slice %arg17[%dma_wait3A_243] : memref<2x!tpu.dma_semaphore, #tpu.memory_space<semaphore_mem>> -> memref<1x!tpu.dma_semaphore, #tpu.memory_space<semaphore_mem>>
      %dma_wait3A_255 = tpu.memref_squeeze %dma_wait3A_254 : memref<1x!tpu.dma_semaphore, #tpu.memory_space<semaphore_mem>> -> memref<!tpu.dma_semaphore, #tpu.memory_space<semaphore_mem>>
      tpu.wait_indirect_dma semaphore(%dma_wait3A_255 : memref<!tpu.dma_semaphore, #tpu.memory_space<semaphore_mem>>) src(%dma_wait3A_253 : memref<512x64xf32, #tpu.memory_space<vmem_shared>>) dst(%dma_wait3A_247 : memref<128x64xf32, #tpu.memory_space<vmem>>)
      %lt3A_256 = arith.constant 198 : i32
      %lt3A_257 = arith.cmpi slt, %mul3A_167, %lt3A_256 : i32
      %convert_element_type3A_258 = arith.extui %lt3A_257 : i1 to i32
      %cond3A_259 = arith.constant 0 : i32
      %cond3A_260 = arith.cmpi ne, %convert_element_type3A_258, %cond3A_259 : i32
      scf.if %cond3A_260 {
        %add3A_399 = arith.constant 2 : i32
        %add3A_400 = arith.addi %mul3A_167, %add3A_399 : i32
        %mul3A_401 = arith.constant 128 : i32
        %mul3A_402 = arith.muli %add3A_400, %mul3A_401 : i32
        %add3A_403 = arith.addi %mul3A_2, %mul3A_402 : i32
        %dma_start3A_404 = arith.constant 0 : i32
        %dma_start3A_405 = arith.constant 0 : i32
        %dma_start3A_406 = arith.constant 0 : i32
        %dma_start3A_407 = tpu.memref_slice %arg10[%dma_start3A_404, %dma_start3A_406] : memref<2x128xi32, #tpu.memory_space<vmem>> -> memref<1x128xi32, #tpu.memory_space<vmem>>
        %dma_start3A_408 = tpu.memref_squeeze %dma_start3A_407 : memref<1x128xi32, #tpu.memory_space<vmem>> -> memref<128xi32, #tpu.memory_space<vmem>>
        %dma_start3A_409 = tpu.memref_slice %arg3[%add3A_403] : memref<819200xi32, #tpu.memory_space<hbm>> -> memref<128xi32, #tpu.memory_space<hbm>>
        %dma_start3A_410 = tpu.memref_slice %arg15[%dma_start3A_405] : memref<2x!tpu.dma_semaphore, #tpu.memory_space<semaphore_mem>> -> memref<1x!tpu.dma_semaphore, #tpu.memory_space<semaphore_mem>>
        %dma_start3A_411 = tpu.memref_squeeze %dma_start3A_410 : memref<1x!tpu.dma_semaphore, #tpu.memory_space<semaphore_mem>> -> memref<!tpu.dma_semaphore, #tpu.memory_space<semaphore_mem>>
        %dma_start3A_412 = arith.constant 0 : i32
        %dma_start3A_413 = tpu.memref_slice %arg10[%dma_start3A_404, %dma_start3A_412] : memref<2x128xi32, #tpu.memory_space<vmem>> -> memref<1x128xi32, #tpu.memory_space<vmem>>
        %dma_start3A_414 = tpu.memref_squeeze %dma_start3A_413 : memref<1x128xi32, #tpu.memory_space<vmem>> -> memref<128xi32, #tpu.memory_space<vmem>>
        %dma_start3A_415 = tpu.memref_slice %arg3[%add3A_403] : memref<819200xi32, #tpu.memory_space<hbm>> -> memref<128xi32, #tpu.memory_space<hbm>>
        tpu.enqueue_dma source(%dma_start3A_415 : memref<128xi32, #tpu.memory_space<hbm>>) target(%dma_start3A_414 : memref<128xi32, #tpu.memory_space<vmem>>) target_semaphore(%dma_start3A_411 : memref<!tpu.dma_semaphore, #tpu.memory_space<semaphore_mem>>)
        %add3A_416 = arith.constant 2 : i32
        %add3A_417 = arith.addi %mul3A_167, %add3A_416 : i32
        %mul3A_418 = arith.constant 128 : i32
        %mul3A_419 = arith.muli %add3A_417, %mul3A_418 : i32
        %add3A_420 = arith.addi %mul3A_2, %mul3A_419 : i32
        %dma_start3A_421 = arith.constant 0 : i32
        %dma_start3A_422 = arith.constant 0 : i32
        %dma_start3A_423 = arith.constant 0 : i32
        %dma_start3A_424 = tpu.memref_slice %arg11[%dma_start3A_421, %dma_start3A_423] : memref<2x128xi32, #tpu.memory_space<vmem>> -> memref<1x128xi32, #tpu.memory_space<vmem>>
        %dma_start3A_425 = tpu.memref_squeeze %dma_start3A_424 : memref<1x128xi32, #tpu.memory_space<vmem>> -> memref<128xi32, #tpu.memory_space<vmem>>
        %dma_start3A_426 = tpu.memref_slice %arg4[%add3A_420] : memref<819200xi32, #tpu.memory_space<hbm>> -> memref<128xi32, #tpu.memory_space<hbm>>
        %dma_start3A_427 = tpu.memref_slice %arg15[%dma_start3A_422] : memref<2x!tpu.dma_semaphore, #tpu.memory_space<semaphore_mem>> -> memref<1x!tpu.dma_semaphore, #tpu.memory_space<semaphore_mem>>
        %dma_start3A_428 = tpu.memref_squeeze %dma_start3A_427 : memref<1x!tpu.dma_semaphore, #tpu.memory_space<semaphore_mem>> -> memref<!tpu.dma_semaphore, #tpu.memory_space<semaphore_mem>>
        %dma_start3A_429 = arith.constant 0 : i32
        %dma_start3A_430 = tpu.memref_slice %arg11[%dma_start3A_421, %dma_start3A_429] : memref<2x128xi32, #tpu.memory_space<vmem>> -> memref<1x128xi32, #tpu.memory_space<vmem>>
        %dma_start3A_431 = tpu.memref_squeeze %dma_start3A_430 : memref<1x128xi32, #tpu.memory_space<vmem>> -> memref<128xi32, #tpu.memory_space<vmem>>
        %dma_start3A_432 = tpu.memref_slice %arg4[%add3A_420] : memref<819200xi32, #tpu.memory_space<hbm>> -> memref<128xi32, #tpu.memory_space<hbm>>
        tpu.enqueue_dma source(%dma_start3A_432 : memref<128xi32, #tpu.memory_space<hbm>>) target(%dma_start3A_431 : memref<128xi32, #tpu.memory_space<vmem>>) target_semaphore(%dma_start3A_428 : memref<!tpu.dma_semaphore, #tpu.memory_space<semaphore_mem>>)
      } else {
      }
      %mul3A_261 = arith.constant 128 : i32
      %mul3A_262 = arith.muli %mul3A_167, %mul3A_261 : i32
      %add3A_263 = arith.addi %mul3A_2, %mul3A_262 : i32
      %dma_start3A_264 = arith.constant 0 : i32
      %dma_start3A_265 = arith.constant 0 : i32
      %dma_start3A_266 = arith.constant 0 : i32
      %dma_start3A_267 = arith.constant 0 : i32
      %dma_start3A_268 = tpu.memref_slice %arg12[%dma_start3A_264, %dma_start3A_266, %dma_start3A_267] : memref<2x128x64xf32, #tpu.memory_space<vmem>> -> memref<1x128x64xf32, #tpu.memory_space<vmem>>
      %dma_start3A_269 = tpu.memref_squeeze %dma_start3A_268 : memref<1x128x64xf32, #tpu.memory_space<vmem>> -> memref<128x64xf32, #tpu.memory_space<vmem>>
      %dma_start3A_270 = arith.constant 0 : i32
      %dma_start3A_271 = tpu.memref_slice %arg8[%add3A_263, %dma_start3A_270] : memref<819200x64xf32, #tpu.memory_space<hbm>> -> memref<128x64xf32, #tpu.memory_space<hbm>>
      %dma_start3A_272 = tpu.memref_slice %arg18[%dma_start3A_265] : memref<2x!tpu.dma_semaphore, #tpu.memory_space<semaphore_mem>> -> memref<1x!tpu.dma_semaphore, #tpu.memory_space<semaphore_mem>>
      %dma_start3A_273 = tpu.memref_squeeze %dma_start3A_272 : memref<1x!tpu.dma_semaphore, #tpu.memory_space<semaphore_mem>> -> memref<!tpu.dma_semaphore, #tpu.memory_space<semaphore_mem>>
      %dma_start3A_274 = arith.constant 0 : i32
      %dma_start3A_275 = tpu.memref_slice %arg8[%add3A_263, %dma_start3A_274] : memref<819200x64xf32, #tpu.memory_space<hbm>> -> memref<128x64xf32, #tpu.memory_space<hbm>>
      %dma_start3A_276 = arith.constant 0 : i32
      %dma_start3A_277 = arith.constant 0 : i32
      %dma_start3A_278 = tpu.memref_slice %arg12[%dma_start3A_264, %dma_start3A_276, %dma_start3A_277] : memref<2x128x64xf32, #tpu.memory_space<vmem>> -> memref<1x128x64xf32, #tpu.memory_space<vmem>>
      %dma_start3A_279 = tpu.memref_squeeze %dma_start3A_278 : memref<1x128x64xf32, #tpu.memory_space<vmem>> -> memref<128x64xf32, #tpu.memory_space<vmem>>
      tpu.enqueue_dma source(%dma_start3A_279 : memref<128x64xf32, #tpu.memory_space<vmem>>) target(%dma_start3A_275 : memref<128x64xf32, #tpu.memory_space<hbm>>) target_semaphore(%dma_start3A_273 : memref<!tpu.dma_semaphore, #tpu.memory_space<semaphore_mem>>)
      %mul3A_280 = arith.constant 2 : i32
      %mul3A_281 = arith.muli %scan3A_164, %mul3A_280 : i32
      %add3A_282 = arith.constant 1 : i32
      %add3A_283 = arith.addi %mul3A_281, %add3A_282 : i32
      %gt3A_284 = arith.constant 0 : i32
      %gt3A_285 = arith.cmpi sgt, %add3A_283, %gt3A_284 : i32
      %convert_element_type3A_286 = arith.extui %gt3A_285 : i1 to i32
      %cond3A_287 = arith.constant 0 : i32
      %cond3A_288 = arith.cmpi ne, %convert_element_type3A_286, %cond3A_287 : i32
      scf.if %cond3A_288 {
        %sub3A = arith.constant 1 : i32
        %sub3A_399 = arith.subi %add3A_283, %sub3A : i32
        %mul3A_400 = arith.constant 128 : i32
        %mul3A_401 = arith.muli %sub3A_399, %mul3A_400 : i32
        %add3A_402 = arith.addi %mul3A_2, %mul3A_401 : i32
        %dma_wait3A_403 = arith.constant 0 : i32
        %dma_wait3A_404 = arith.constant 0 : i32
        %dma_wait3A_405 = arith.constant 0 : i32
        %dma_wait3A_406 = arith.constant 0 : i32
        %dma_wait3A_407 = tpu.memref_slice %arg12[%dma_wait3A_403, %dma_wait3A_405, %dma_wait3A_406] : memref<2x128x64xf32, #tpu.memory_space<vmem>> -> memref<1x128x64xf32, #tpu.memory_space<vmem>>
        %dma_wait3A_408 = tpu.memref_squeeze %dma_wait3A_407 : memref<1x128x64xf32, #tpu.memory_space<vmem>> -> memref<128x64xf32, #tpu.memory_space<vmem>>
        %dma_wait3A_409 = arith.constant 0 : i32
        %dma_wait3A_410 = tpu.memref_slice %arg8[%add3A_402, %dma_wait3A_409] : memref<819200x64xf32, #tpu.memory_space<hbm>> -> memref<128x64xf32, #tpu.memory_space<hbm>>
        %dma_wait3A_411 = tpu.memref_slice %arg18[%dma_wait3A_404] : memref<2x!tpu.dma_semaphore, #tpu.memory_space<semaphore_mem>> -> memref<1x!tpu.dma_semaphore, #tpu.memory_space<semaphore_mem>>
        %dma_wait3A_412 = tpu.memref_squeeze %dma_wait3A_411 : memref<1x!tpu.dma_semaphore, #tpu.memory_space<semaphore_mem>> -> memref<!tpu.dma_semaphore, #tpu.memory_space<semaphore_mem>>
        %dma_wait3A_413 = arith.constant 0 : i32
        %dma_wait3A_414 = tpu.memref_slice %arg8[%add3A_402, %dma_wait3A_413] : memref<819200x64xf32, #tpu.memory_space<hbm>> -> memref<128x64xf32, #tpu.memory_space<hbm>>
        %dma_wait3A_415 = arith.constant 0 : i32
        %dma_wait3A_416 = arith.constant 0 : i32
        %dma_wait3A_417 = tpu.memref_slice %arg12[%dma_wait3A_403, %dma_wait3A_415, %dma_wait3A_416] : memref<2x128x64xf32, #tpu.memory_space<vmem>> -> memref<1x128x64xf32, #tpu.memory_space<vmem>>
        %dma_wait3A_418 = tpu.memref_squeeze %dma_wait3A_417 : memref<1x128x64xf32, #tpu.memory_space<vmem>> -> memref<128x64xf32, #tpu.memory_space<vmem>>
        tpu.wait_dma2 semaphore(%dma_wait3A_412 : memref<!tpu.dma_semaphore, #tpu.memory_space<semaphore_mem>>) src(%dma_wait3A_418 : memref<128x64xf32, #tpu.memory_space<vmem>>) dst(%dma_wait3A_414 : memref<128x64xf32, #tpu.memory_space<hbm>>)
      } else {
      }
      %lt3A_289 = arith.constant 199 : i32
      %lt3A_290 = arith.cmpi slt, %add3A_283, %lt3A_289 : i32
      %convert_element_type3A_291 = arith.extui %lt3A_290 : i1 to i32
      %cond3A_292 = arith.constant 0 : i32
      %cond3A_293 = arith.cmpi ne, %convert_element_type3A_291, %cond3A_292 : i32
      scf.if %cond3A_293 {
        %add3A_399 = arith.constant 1 : i32
        %add3A_400 = arith.addi %add3A_283, %add3A_399 : i32
        %mul3A_401 = arith.constant 128 : i32
        %mul3A_402 = arith.muli %add3A_400, %mul3A_401 : i32
        %add3A_403 = arith.addi %mul3A_2, %mul3A_402 : i32
        %dma_wait3A_404 = arith.constant 0 : i32
        %dma_wait3A_405 = arith.constant 0 : i32
        %dma_wait3A_406 = arith.constant 0 : i32
        %dma_wait3A_407 = tpu.memref_slice %arg9[%dma_wait3A_404, %dma_wait3A_406] : memref<2x128xi32, #tpu.memory_space<vmem>> -> memref<1x128xi32, #tpu.memory_space<vmem>>
        %dma_wait3A_408 = tpu.memref_squeeze %dma_wait3A_407 : memref<1x128xi32, #tpu.memory_space<vmem>> -> memref<128xi32, #tpu.memory_space<vmem>>
        %dma_wait3A_409 = tpu.memref_slice %arg2[%add3A_403] : memref<819200xi32, #tpu.memory_space<hbm>> -> memref<128xi32, #tpu.memory_space<hbm>>
        %dma_wait3A_410 = tpu.memref_slice %arg15[%dma_wait3A_405] : memref<2x!tpu.dma_semaphore, #tpu.memory_space<semaphore_mem>> -> memref<1x!tpu.dma_semaphore, #tpu.memory_space<semaphore_mem>>
        %dma_wait3A_411 = tpu.memref_squeeze %dma_wait3A_410 : memref<1x!tpu.dma_semaphore, #tpu.memory_space<semaphore_mem>> -> memref<!tpu.dma_semaphore, #tpu.memory_space<semaphore_mem>>
        %dma_wait3A_412 = arith.constant 0 : i32
        %dma_wait3A_413 = tpu.memref_slice %arg9[%dma_wait3A_404, %dma_wait3A_412] : memref<2x128xi32, #tpu.memory_space<vmem>> -> memref<1x128xi32, #tpu.memory_space<vmem>>
        %dma_wait3A_414 = tpu.memref_squeeze %dma_wait3A_413 : memref<1x128xi32, #tpu.memory_space<vmem>> -> memref<128xi32, #tpu.memory_space<vmem>>
        %dma_wait3A_415 = tpu.memref_slice %arg2[%add3A_403] : memref<819200xi32, #tpu.memory_space<hbm>> -> memref<128xi32, #tpu.memory_space<hbm>>
        tpu.wait_dma2 semaphore(%dma_wait3A_411 : memref<!tpu.dma_semaphore, #tpu.memory_space<semaphore_mem>>) src(%dma_wait3A_415 : memref<128xi32, #tpu.memory_space<hbm>>) dst(%dma_wait3A_414 : memref<128xi32, #tpu.memory_space<vmem>>)
        %dma_wait3A_416 = arith.constant 0 : i32
        %dma_wait3A_417 = arith.constant 0 : i32
        %dma_wait3A_418 = arith.constant 0 : i32
        %dma_wait3A_419 = tpu.memref_slice %arg10[%dma_wait3A_416, %dma_wait3A_418] : memref<2x128xi32, #tpu.memory_space<vmem>> -> memref<1x128xi32, #tpu.memory_space<vmem>>
        %dma_wait3A_420 = tpu.memref_squeeze %dma_wait3A_419 : memref<1x128xi32, #tpu.memory_space<vmem>> -> memref<128xi32, #tpu.memory_space<vmem>>
        %dma_wait3A_421 = tpu.memref_slice %arg3[%add3A_403] : memref<819200xi32, #tpu.memory_space<hbm>> -> memref<128xi32, #tpu.memory_space<hbm>>
        %dma_wait3A_422 = tpu.memref_slice %arg15[%dma_wait3A_417] : memref<2x!tpu.dma_semaphore, #tpu.memory_space<semaphore_mem>> -> memref<1x!tpu.dma_semaphore, #tpu.memory_space<semaphore_mem>>
        %dma_wait3A_423 = tpu.memref_squeeze %dma_wait3A_422 : memref<1x!tpu.dma_semaphore, #tpu.memory_space<semaphore_mem>> -> memref<!tpu.dma_semaphore, #tpu.memory_space<semaphore_mem>>
        %dma_wait3A_424 = arith.constant 0 : i32
        %dma_wait3A_425 = tpu.memref_slice %arg10[%dma_wait3A_416, %dma_wait3A_424] : memref<2x128xi32, #tpu.memory_space<vmem>> -> memref<1x128xi32, #tpu.memory_space<vmem>>
        %dma_wait3A_426 = tpu.memref_squeeze %dma_wait3A_425 : memref<1x128xi32, #tpu.memory_space<vmem>> -> memref<128xi32, #tpu.memory_space<vmem>>
        %dma_wait3A_427 = tpu.memref_slice %arg3[%add3A_403] : memref<819200xi32, #tpu.memory_space<hbm>> -> memref<128xi32, #tpu.memory_space<hbm>>
        tpu.wait_dma2 semaphore(%dma_wait3A_423 : memref<!tpu.dma_semaphore, #tpu.memory_space<semaphore_mem>>) src(%dma_wait3A_427 : memref<128xi32, #tpu.memory_space<hbm>>) dst(%dma_wait3A_426 : memref<128xi32, #tpu.memory_space<vmem>>)
        %dma_wait3A_428 = arith.constant 0 : i32
        %dma_wait3A_429 = arith.constant 0 : i32
        %dma_wait3A_430 = arith.constant 0 : i32
        %dma_wait3A_431 = tpu.memref_slice %arg11[%dma_wait3A_428, %dma_wait3A_430] : memref<2x128xi32, #tpu.memory_space<vmem>> -> memref<1x128xi32, #tpu.memory_space<vmem>>
        %dma_wait3A_432 = tpu.memref_squeeze %dma_wait3A_431 : memref<1x128xi32, #tpu.memory_space<vmem>> -> memref<128xi32, #tpu.memory_space<vmem>>
        %dma_wait3A_433 = tpu.memref_slice %arg4[%add3A_403] : memref<819200xi32, #tpu.memory_space<hbm>> -> memref<128xi32, #tpu.memory_space<hbm>>
        %dma_wait3A_434 = tpu.memref_slice %arg15[%dma_wait3A_429] : memref<2x!tpu.dma_semaphore, #tpu.memory_space<semaphore_mem>> -> memref<1x!tpu.dma_semaphore, #tpu.memory_space<semaphore_mem>>
        %dma_wait3A_435 = tpu.memref_squeeze %dma_wait3A_434 : memref<1x!tpu.dma_semaphore, #tpu.memory_space<semaphore_mem>> -> memref<!tpu.dma_semaphore, #tpu.memory_space<semaphore_mem>>
        %dma_wait3A_436 = arith.constant 0 : i32
        %dma_wait3A_437 = tpu.memref_slice %arg11[%dma_wait3A_428, %dma_wait3A_436] : memref<2x128xi32, #tpu.memory_space<vmem>> -> memref<1x128xi32, #tpu.memory_space<vmem>>
        %dma_wait3A_438 = tpu.memref_squeeze %dma_wait3A_437 : memref<1x128xi32, #tpu.memory_space<vmem>> -> memref<128xi32, #tpu.memory_space<vmem>>
        %dma_wait3A_439 = tpu.memref_slice %arg4[%add3A_403] : memref<819200xi32, #tpu.memory_space<hbm>> -> memref<128xi32, #tpu.memory_space<hbm>>
        tpu.wait_dma2 semaphore(%dma_wait3A_435 : memref<!tpu.dma_semaphore, #tpu.memory_space<semaphore_mem>>) src(%dma_wait3A_439 : memref<128xi32, #tpu.memory_space<hbm>>) dst(%dma_wait3A_438 : memref<128xi32, #tpu.memory_space<vmem>>)
        %dma_start3A_440 = arith.constant 0 : i32
        %dma_start3A_441 = arith.constant 0 : i32
        %dma_start3A_442 = arith.constant 0 : i32
        %dma_start3A_443 = arith.constant 0 : i32
        %dma_start3A_444 = arith.constant 0 : i32
        %dma_start3A_445 = tpu.memref_slice %arg12[%dma_start3A_441, %dma_start3A_443, %dma_start3A_444] : memref<2x128x64xf32, #tpu.memory_space<vmem>> -> memref<1x128x64xf32, #tpu.memory_space<vmem>>
        %dma_start3A_446 = tpu.memref_squeeze %dma_start3A_445 : memref<1x128x64xf32, #tpu.memory_space<vmem>> -> memref<128x64xf32, #tpu.memory_space<vmem>>
        %dma_start3A_447 = arith.constant 0 : i32
        %dma_start3A_448 = tpu.memref_slice %arg9[%dma_start3A_440, %dma_start3A_447] : memref<2x128xi32, #tpu.memory_space<vmem>> -> memref<1x128xi32, #tpu.memory_space<vmem>>
        %dma_start3A_449 = tpu.memref_squeeze %dma_start3A_448 : memref<1x128xi32, #tpu.memory_space<vmem>> -> memref<128xi32, #tpu.memory_space<vmem>>
        %dma_start3A_450 = arith.constant 0 : i32
        %dma_start3A_451 = arith.constant 0 : i32
        %dma_start3A_452 = tpu.memref_slice %arg5[%dma_start3A_450, %dma_start3A_451] : memref<1000000x64xf32, #tpu.memory_space<hbm>> -> memref<1000000x64xf32, #tpu.memory_space<hbm>>
        %dma_start3A_453 = tpu.memref_slice %arg16[%dma_start3A_442] : memref<2x!tpu.dma_semaphore, #tpu.memory_space<semaphore_mem>> -> memref<1x!tpu.dma_semaphore, #tpu.memory_space<semaphore_mem>>
        %dma_start3A_454 = tpu.memref_squeeze %dma_start3A_453 : memref<1x!tpu.dma_semaphore, #tpu.memory_space<semaphore_mem>> -> memref<!tpu.dma_semaphore, #tpu.memory_space<semaphore_mem>>
        tpu.enqueue_indirect_dma source(%dma_start3A_452 : memref<1000000x64xf32, #tpu.memory_space<hbm>>) target(%dma_start3A_446 : memref<128x64xf32, #tpu.memory_space<vmem>>) offsets(%dma_start3A_449 : memref<128xi32, #tpu.memory_space<vmem>>) semaphore(%dma_start3A_454 : memref<!tpu.dma_semaphore, #tpu.memory_space<semaphore_mem>>)
      } else {
      }
      %dma_wait3A_294 = arith.constant 1 : i32
      %dma_wait3A_295 = arith.constant 1 : i32
      %dma_wait3A_296 = arith.constant 1 : i32
      %dma_wait3A_297 = arith.constant 0 : i32
      %dma_wait3A_298 = arith.constant 0 : i32
      %dma_wait3A_299 = tpu.memref_slice %arg12[%dma_wait3A_295, %dma_wait3A_297, %dma_wait3A_298] : memref<2x128x64xf32, #tpu.memory_space<vmem>> -> memref<1x128x64xf32, #tpu.memory_space<vmem>>
      %dma_wait3A_300 = tpu.memref_squeeze %dma_wait3A_299 : memref<1x128x64xf32, #tpu.memory_space<vmem>> -> memref<128x64xf32, #tpu.memory_space<vmem>>
      %dma_wait3A_301 = arith.constant 0 : i32
      %dma_wait3A_302 = tpu.memref_slice %arg9[%dma_wait3A_294, %dma_wait3A_301] : memref<2x128xi32, #tpu.memory_space<vmem>> -> memref<1x128xi32, #tpu.memory_space<vmem>>
      %dma_wait3A_303 = tpu.memref_squeeze %dma_wait3A_302 : memref<1x128xi32, #tpu.memory_space<vmem>> -> memref<128xi32, #tpu.memory_space<vmem>>
      %dma_wait3A_304 = arith.constant 0 : i32
      %dma_wait3A_305 = arith.constant 0 : i32
      %dma_wait3A_306 = tpu.memref_slice %arg5[%dma_wait3A_304, %dma_wait3A_305] : memref<1000000x64xf32, #tpu.memory_space<hbm>> -> memref<1000000x64xf32, #tpu.memory_space<hbm>>
      %dma_wait3A_307 = tpu.memref_slice %arg16[%dma_wait3A_296] : memref<2x!tpu.dma_semaphore, #tpu.memory_space<semaphore_mem>> -> memref<1x!tpu.dma_semaphore, #tpu.memory_space<semaphore_mem>>
      %dma_wait3A_308 = tpu.memref_squeeze %dma_wait3A_307 : memref<1x!tpu.dma_semaphore, #tpu.memory_space<semaphore_mem>> -> memref<!tpu.dma_semaphore, #tpu.memory_space<semaphore_mem>>
      tpu.wait_indirect_dma semaphore(%dma_wait3A_308 : memref<!tpu.dma_semaphore, #tpu.memory_space<semaphore_mem>>) src(%dma_wait3A_306 : memref<1000000x64xf32, #tpu.memory_space<hbm>>) dst(%dma_wait3A_300 : memref<128x64xf32, #tpu.memory_space<vmem>>)
      %dma_start3A_309 = arith.constant 1 : i32
      %dma_start3A_310 = arith.constant 1 : i32
      %dma_start3A_311 = arith.constant 1 : i32
      %dma_start3A_312 = arith.constant 0 : i32
      %dma_start3A_313 = arith.constant 0 : i32
      %dma_start3A_314 = tpu.memref_slice %arg12[%dma_start3A_310, %dma_start3A_312, %dma_start3A_313] : memref<2x128x64xf32, #tpu.memory_space<vmem>> -> memref<1x128x64xf32, #tpu.memory_space<vmem>>
      %dma_start3A_315 = tpu.memref_squeeze %dma_start3A_314 : memref<1x128x64xf32, #tpu.memory_space<vmem>> -> memref<128x64xf32, #tpu.memory_space<vmem>>
      %dma_start3A_316 = arith.constant 0 : i32
      %dma_start3A_317 = tpu.memref_slice %arg10[%dma_start3A_309, %dma_start3A_316] : memref<2x128xi32, #tpu.memory_space<vmem>> -> memref<1x128xi32, #tpu.memory_space<vmem>>
      %dma_start3A_318 = tpu.memref_squeeze %dma_start3A_317 : memref<1x128xi32, #tpu.memory_space<vmem>> -> memref<128xi32, #tpu.memory_space<vmem>>
      %dma_start3A_319 = arith.constant 0 : i32
      %dma_start3A_320 = arith.constant 0 : i32
      %dma_start3A_321 = tpu.memref_slice %arg13[%dma_start3A_319, %dma_start3A_320] : memref<512x64xf32, #tpu.memory_space<vmem_shared>> -> memref<512x64xf32, #tpu.memory_space<vmem_shared>>
      %dma_start3A_322 = tpu.memref_slice %arg17[%dma_start3A_311] : memref<2x!tpu.dma_semaphore, #tpu.memory_space<semaphore_mem>> -> memref<1x!tpu.dma_semaphore, #tpu.memory_space<semaphore_mem>>
      %dma_start3A_323 = tpu.memref_squeeze %dma_start3A_322 : memref<1x!tpu.dma_semaphore, #tpu.memory_space<semaphore_mem>> -> memref<!tpu.dma_semaphore, #tpu.memory_space<semaphore_mem>>
      tpu.enqueue_indirect_dma source(%dma_start3A_321 : memref<512x64xf32, #tpu.memory_space<vmem_shared>>) target(%dma_start3A_315 : memref<128x64xf32, #tpu.memory_space<vmem>>) offsets(%dma_start3A_318 : memref<128xi32, #tpu.memory_space<vmem>>) semaphore(%dma_start3A_323 : memref<!tpu.dma_semaphore, #tpu.memory_space<semaphore_mem>>) {add = true}
      %dma_start3A_324 = arith.constant 1 : i32
      %dma_start3A_325 = arith.constant 1 : i32
      %dma_start3A_326 = arith.constant 1 : i32
      %dma_start3A_327 = arith.constant 0 : i32
      %dma_start3A_328 = arith.constant 0 : i32
      %dma_start3A_329 = tpu.memref_slice %arg12[%dma_start3A_325, %dma_start3A_327, %dma_start3A_328] : memref<2x128x64xf32, #tpu.memory_space<vmem>> -> memref<1x128x64xf32, #tpu.memory_space<vmem>>
      %dma_start3A_330 = tpu.memref_squeeze %dma_start3A_329 : memref<1x128x64xf32, #tpu.memory_space<vmem>> -> memref<128x64xf32, #tpu.memory_space<vmem>>
      %dma_start3A_331 = arith.constant 0 : i32
      %dma_start3A_332 = tpu.memref_slice %arg11[%dma_start3A_324, %dma_start3A_331] : memref<2x128xi32, #tpu.memory_space<vmem>> -> memref<1x128xi32, #tpu.memory_space<vmem>>
      %dma_start3A_333 = tpu.memref_squeeze %dma_start3A_332 : memref<1x128xi32, #tpu.memory_space<vmem>> -> memref<128xi32, #tpu.memory_space<vmem>>
      %dma_start3A_334 = arith.constant 0 : i32
      %dma_start3A_335 = arith.constant 0 : i32
      %dma_start3A_336 = tpu.memref_slice %arg14[%dma_start3A_334, %dma_start3A_335] : memref<512x64xf32, #tpu.memory_space<vmem_shared>> -> memref<512x64xf32, #tpu.memory_space<vmem_shared>>
      %dma_start3A_337 = tpu.memref_slice %arg17[%dma_start3A_326] : memref<2x!tpu.dma_semaphore, #tpu.memory_space<semaphore_mem>> -> memref<1x!tpu.dma_semaphore, #tpu.memory_space<semaphore_mem>>
      %dma_start3A_338 = tpu.memref_squeeze %dma_start3A_337 : memref<1x!tpu.dma_semaphore, #tpu.memory_space<semaphore_mem>> -> memref<!tpu.dma_semaphore, #tpu.memory_space<semaphore_mem>>
      tpu.enqueue_indirect_dma source(%dma_start3A_336 : memref<512x64xf32, #tpu.memory_space<vmem_shared>>) target(%dma_start3A_330 : memref<128x64xf32, #tpu.memory_space<vmem>>) offsets(%dma_start3A_333 : memref<128xi32, #tpu.memory_space<vmem>>) semaphore(%dma_start3A_338 : memref<!tpu.dma_semaphore, #tpu.memory_space<semaphore_mem>>) {add = true}
      %lt3A_339 = arith.constant 198 : i32
      %lt3A_340 = arith.cmpi slt, %add3A_283, %lt3A_339 : i32
      %convert_element_type3A_341 = arith.extui %lt3A_340 : i1 to i32
      %cond3A_342 = arith.constant 0 : i32
      %cond3A_343 = arith.cmpi ne, %convert_element_type3A_341, %cond3A_342 : i32
      scf.if %cond3A_343 {
        %add3A_399 = arith.constant 2 : i32
        %add3A_400 = arith.addi %add3A_283, %add3A_399 : i32
        %mul3A_401 = arith.constant 128 : i32
        %mul3A_402 = arith.muli %add3A_400, %mul3A_401 : i32
        %add3A_403 = arith.addi %mul3A_2, %mul3A_402 : i32
        %dma_start3A_404 = arith.constant 1 : i32
        %dma_start3A_405 = arith.constant 1 : i32
        %dma_start3A_406 = arith.constant 0 : i32
        %dma_start3A_407 = tpu.memref_slice %arg9[%dma_start3A_404, %dma_start3A_406] : memref<2x128xi32, #tpu.memory_space<vmem>> -> memref<1x128xi32, #tpu.memory_space<vmem>>
        %dma_start3A_408 = tpu.memref_squeeze %dma_start3A_407 : memref<1x128xi32, #tpu.memory_space<vmem>> -> memref<128xi32, #tpu.memory_space<vmem>>
        %dma_start3A_409 = tpu.memref_slice %arg2[%add3A_403] : memref<819200xi32, #tpu.memory_space<hbm>> -> memref<128xi32, #tpu.memory_space<hbm>>
        %dma_start3A_410 = tpu.memref_slice %arg15[%dma_start3A_405] : memref<2x!tpu.dma_semaphore, #tpu.memory_space<semaphore_mem>> -> memref<1x!tpu.dma_semaphore, #tpu.memory_space<semaphore_mem>>
        %dma_start3A_411 = tpu.memref_squeeze %dma_start3A_410 : memref<1x!tpu.dma_semaphore, #tpu.memory_space<semaphore_mem>> -> memref<!tpu.dma_semaphore, #tpu.memory_space<semaphore_mem>>
        %dma_start3A_412 = arith.constant 0 : i32
        %dma_start3A_413 = tpu.memref_slice %arg9[%dma_start3A_404, %dma_start3A_412] : memref<2x128xi32, #tpu.memory_space<vmem>> -> memref<1x128xi32, #tpu.memory_space<vmem>>
        %dma_start3A_414 = tpu.memref_squeeze %dma_start3A_413 : memref<1x128xi32, #tpu.memory_space<vmem>> -> memref<128xi32, #tpu.memory_space<vmem>>
        %dma_start3A_415 = tpu.memref_slice %arg2[%add3A_403] : memref<819200xi32, #tpu.memory_space<hbm>> -> memref<128xi32, #tpu.memory_space<hbm>>
        tpu.enqueue_dma source(%dma_start3A_415 : memref<128xi32, #tpu.memory_space<hbm>>) target(%dma_start3A_414 : memref<128xi32, #tpu.memory_space<vmem>>) target_semaphore(%dma_start3A_411 : memref<!tpu.dma_semaphore, #tpu.memory_space<semaphore_mem>>)
      } else {
      }
      %dma_wait3A_344 = arith.constant 1 : i32
      %dma_wait3A_345 = arith.constant 1 : i32
      %dma_wait3A_346 = arith.constant 1 : i32
      %dma_wait3A_347 = arith.constant 0 : i32
      %dma_wait3A_348 = arith.constant 0 : i32
      %dma_wait3A_349 = tpu.memref_slice %arg12[%dma_wait3A_345, %dma_wait3A_347, %dma_wait3A_348] : memref<2x128x64xf32, #tpu.memory_space<vmem>> -> memref<1x128x64xf32, #tpu.memory_space<vmem>>
      %dma_wait3A_350 = tpu.memref_squeeze %dma_wait3A_349 : memref<1x128x64xf32, #tpu.memory_space<vmem>> -> memref<128x64xf32, #tpu.memory_space<vmem>>
      %dma_wait3A_351 = arith.constant 0 : i32
      %dma_wait3A_352 = tpu.memref_slice %arg10[%dma_wait3A_344, %dma_wait3A_351] : memref<2x128xi32, #tpu.memory_space<vmem>> -> memref<1x128xi32, #tpu.memory_space<vmem>>
      %dma_wait3A_353 = tpu.memref_squeeze %dma_wait3A_352 : memref<1x128xi32, #tpu.memory_space<vmem>> -> memref<128xi32, #tpu.memory_space<vmem>>
      %dma_wait3A_354 = arith.constant 0 : i32
      %dma_wait3A_355 = arith.constant 0 : i32
      %dma_wait3A_356 = tpu.memref_slice %arg13[%dma_wait3A_354, %dma_wait3A_355] : memref<512x64xf32, #tpu.memory_space<vmem_shared>> -> memref<512x64xf32, #tpu.memory_space<vmem_shared>>
      %dma_wait3A_357 = tpu.memref_slice %arg17[%dma_wait3A_346] : memref<2x!tpu.dma_semaphore, #tpu.memory_space<semaphore_mem>> -> memref<1x!tpu.dma_semaphore, #tpu.memory_space<semaphore_mem>>
      %dma_wait3A_358 = tpu.memref_squeeze %dma_wait3A_357 : memref<1x!tpu.dma_semaphore, #tpu.memory_space<semaphore_mem>> -> memref<!tpu.dma_semaphore, #tpu.memory_space<semaphore_mem>>
      tpu.wait_indirect_dma semaphore(%dma_wait3A_358 : memref<!tpu.dma_semaphore, #tpu.memory_space<semaphore_mem>>) src(%dma_wait3A_356 : memref<512x64xf32, #tpu.memory_space<vmem_shared>>) dst(%dma_wait3A_350 : memref<128x64xf32, #tpu.memory_space<vmem>>)
      %dma_wait3A_359 = arith.constant 1 : i32
      %dma_wait3A_360 = arith.constant 1 : i32
      %dma_wait3A_361 = arith.constant 1 : i32
      %dma_wait3A_362 = arith.constant 0 : i32
      %dma_wait3A_363 = arith.constant 0 : i32
      %dma_wait3A_364 = tpu.memref_slice %arg12[%dma_wait3A_360, %dma_wait3A_362, %dma_wait3A_363] : memref<2x128x64xf32, #tpu.memory_space<vmem>> -> memref<1x128x64xf32, #tpu.memory_space<vmem>>
      %dma_wait3A_365 = tpu.memref_squeeze %dma_wait3A_364 : memref<1x128x64xf32, #tpu.memory_space<vmem>> -> memref<128x64xf32, #tpu.memory_space<vmem>>
      %dma_wait3A_366 = arith.constant 0 : i32
      %dma_wait3A_367 = tpu.memref_slice %arg11[%dma_wait3A_359, %dma_wait3A_366] : memref<2x128xi32, #tpu.memory_space<vmem>> -> memref<1x128xi32, #tpu.memory_space<vmem>>
      %dma_wait3A_368 = tpu.memref_squeeze %dma_wait3A_367 : memref<1x128xi32, #tpu.memory_space<vmem>> -> memref<128xi32, #tpu.memory_space<vmem>>
      %dma_wait3A_369 = arith.constant 0 : i32
      %dma_wait3A_370 = arith.constant 0 : i32
      %dma_wait3A_371 = tpu.memref_slice %arg14[%dma_wait3A_369, %dma_wait3A_370] : memref<512x64xf32, #tpu.memory_space<vmem_shared>> -> memref<512x64xf32, #tpu.memory_space<vmem_shared>>
      %dma_wait3A_372 = tpu.memref_slice %arg17[%dma_wait3A_361] : memref<2x!tpu.dma_semaphore, #tpu.memory_space<semaphore_mem>> -> memref<1x!tpu.dma_semaphore, #tpu.memory_space<semaphore_mem>>
      %dma_wait3A_373 = tpu.memref_squeeze %dma_wait3A_372 : memref<1x!tpu.dma_semaphore, #tpu.memory_space<semaphore_mem>> -> memref<!tpu.dma_semaphore, #tpu.memory_space<semaphore_mem>>
      tpu.wait_indirect_dma semaphore(%dma_wait3A_373 : memref<!tpu.dma_semaphore, #tpu.memory_space<semaphore_mem>>) src(%dma_wait3A_371 : memref<512x64xf32, #tpu.memory_space<vmem_shared>>) dst(%dma_wait3A_365 : memref<128x64xf32, #tpu.memory_space<vmem>>)
      %lt3A_374 = arith.constant 198 : i32
      %lt3A_375 = arith.cmpi slt, %add3A_283, %lt3A_374 : i32
      %convert_element_type3A_376 = arith.extui %lt3A_375 : i1 to i32
      %cond3A_377 = arith.constant 0 : i32
      %cond3A_378 = arith.cmpi ne, %convert_element_type3A_376, %cond3A_377 : i32
      scf.if %cond3A_378 {
        %add3A_399 = arith.constant 2 : i32
        %add3A_400 = arith.addi %add3A_283, %add3A_399 : i32
        %mul3A_401 = arith.constant 128 : i32
        %mul3A_402 = arith.muli %add3A_400, %mul3A_401 : i32
        %add3A_403 = arith.addi %mul3A_2, %mul3A_402 : i32
        %dma_start3A_404 = arith.constant 1 : i32
        %dma_start3A_405 = arith.constant 1 : i32
        %dma_start3A_406 = arith.constant 0 : i32
        %dma_start3A_407 = tpu.memref_slice %arg10[%dma_start3A_404, %dma_start3A_406] : memref<2x128xi32, #tpu.memory_space<vmem>> -> memref<1x128xi32, #tpu.memory_space<vmem>>
        %dma_start3A_408 = tpu.memref_squeeze %dma_start3A_407 : memref<1x128xi32, #tpu.memory_space<vmem>> -> memref<128xi32, #tpu.memory_space<vmem>>
        %dma_start3A_409 = tpu.memref_slice %arg3[%add3A_403] : memref<819200xi32, #tpu.memory_space<hbm>> -> memref<128xi32, #tpu.memory_space<hbm>>
        %dma_start3A_410 = tpu.memref_slice %arg15[%dma_start3A_405] : memref<2x!tpu.dma_semaphore, #tpu.memory_space<semaphore_mem>> -> memref<1x!tpu.dma_semaphore, #tpu.memory_space<semaphore_mem>>
        %dma_start3A_411 = tpu.memref_squeeze %dma_start3A_410 : memref<1x!tpu.dma_semaphore, #tpu.memory_space<semaphore_mem>> -> memref<!tpu.dma_semaphore, #tpu.memory_space<semaphore_mem>>
        %dma_start3A_412 = arith.constant 0 : i32
        %dma_start3A_413 = tpu.memref_slice %arg10[%dma_start3A_404, %dma_start3A_412] : memref<2x128xi32, #tpu.memory_space<vmem>> -> memref<1x128xi32, #tpu.memory_space<vmem>>
        %dma_start3A_414 = tpu.memref_squeeze %dma_start3A_413 : memref<1x128xi32, #tpu.memory_space<vmem>> -> memref<128xi32, #tpu.memory_space<vmem>>
        %dma_start3A_415 = tpu.memref_slice %arg3[%add3A_403] : memref<819200xi32, #tpu.memory_space<hbm>> -> memref<128xi32, #tpu.memory_space<hbm>>
        tpu.enqueue_dma source(%dma_start3A_415 : memref<128xi32, #tpu.memory_space<hbm>>) target(%dma_start3A_414 : memref<128xi32, #tpu.memory_space<vmem>>) target_semaphore(%dma_start3A_411 : memref<!tpu.dma_semaphore, #tpu.memory_space<semaphore_mem>>)
        %add3A_416 = arith.constant 2 : i32
        %add3A_417 = arith.addi %add3A_283, %add3A_416 : i32
        %mul3A_418 = arith.constant 128 : i32
        %mul3A_419 = arith.muli %add3A_417, %mul3A_418 : i32
        %add3A_420 = arith.addi %mul3A_2, %mul3A_419 : i32
        %dma_start3A_421 = arith.constant 1 : i32
        %dma_start3A_422 = arith.constant 1 : i32
        %dma_start3A_423 = arith.constant 0 : i32
        %dma_start3A_424 = tpu.memref_slice %arg11[%dma_start3A_421, %dma_start3A_423] : memref<2x128xi32, #tpu.memory_space<vmem>> -> memref<1x128xi32, #tpu.memory_space<vmem>>
        %dma_start3A_425 = tpu.memref_squeeze %dma_start3A_424 : memref<1x128xi32, #tpu.memory_space<vmem>> -> memref<128xi32, #tpu.memory_space<vmem>>
        %dma_start3A_426 = tpu.memref_slice %arg4[%add3A_420] : memref<819200xi32, #tpu.memory_space<hbm>> -> memref<128xi32, #tpu.memory_space<hbm>>
        %dma_start3A_427 = tpu.memref_slice %arg15[%dma_start3A_422] : memref<2x!tpu.dma_semaphore, #tpu.memory_space<semaphore_mem>> -> memref<1x!tpu.dma_semaphore, #tpu.memory_space<semaphore_mem>>
        %dma_start3A_428 = tpu.memref_squeeze %dma_start3A_427 : memref<1x!tpu.dma_semaphore, #tpu.memory_space<semaphore_mem>> -> memref<!tpu.dma_semaphore, #tpu.memory_space<semaphore_mem>>
        %dma_start3A_429 = arith.constant 0 : i32
        %dma_start3A_430 = tpu.memref_slice %arg11[%dma_start3A_421, %dma_start3A_429] : memref<2x128xi32, #tpu.memory_space<vmem>> -> memref<1x128xi32, #tpu.memory_space<vmem>>
        %dma_start3A_431 = tpu.memref_squeeze %dma_start3A_430 : memref<1x128xi32, #tpu.memory_space<vmem>> -> memref<128xi32, #tpu.memory_space<vmem>>
        %dma_start3A_432 = tpu.memref_slice %arg4[%add3A_420] : memref<819200xi32, #tpu.memory_space<hbm>> -> memref<128xi32, #tpu.memory_space<hbm>>
        tpu.enqueue_dma source(%dma_start3A_432 : memref<128xi32, #tpu.memory_space<hbm>>) target(%dma_start3A_431 : memref<128xi32, #tpu.memory_space<vmem>>) target_semaphore(%dma_start3A_428 : memref<!tpu.dma_semaphore, #tpu.memory_space<semaphore_mem>>)
      } else {
      }
      %mul3A_379 = arith.constant 128 : i32
      %mul3A_380 = arith.muli %add3A_283, %mul3A_379 : i32
      %add3A_381 = arith.addi %mul3A_2, %mul3A_380 : i32
      %dma_start3A_382 = arith.constant 1 : i32
      %dma_start3A_383 = arith.constant 1 : i32
      %dma_start3A_384 = arith.constant 0 : i32
      %dma_start3A_385 = arith.constant 0 : i32
      %dma_start3A_386 = tpu.memref_slice %arg12[%dma_start3A_382, %dma_start3A_384, %dma_start3A_385] : memref<2x128x64xf32, #tpu.memory_space<vmem>> -> memref<1x128x64xf32, #tpu.memory_space<vmem>>
      %dma_start3A_387 = tpu.memref_squeeze %dma_start3A_386 : memref<1x128x64xf32, #tpu.memory_space<vmem>> -> memref<128x64xf32, #tpu.memory_space<vmem>>
      %dma_start3A_388 = arith.constant 0 : i32
      %dma_start3A_389 = tpu.memref_slice %arg8[%add3A_381, %dma_start3A_388] : memref<819200x64xf32, #tpu.memory_space<hbm>> -> memref<128x64xf32, #tpu.memory_space<hbm>>
      %dma_start3A_390 = tpu.memref_slice %arg18[%dma_start3A_383] : memref<2x!tpu.dma_semaphore, #tpu.memory_space<semaphore_mem>> -> memref<1x!tpu.dma_semaphore, #tpu.memory_space<semaphore_mem>>
      %dma_start3A_391 = tpu.memref_squeeze %dma_start3A_390 : memref<1x!tpu.dma_semaphore, #tpu.memory_space<semaphore_mem>> -> memref<!tpu.dma_semaphore, #tpu.memory_space<semaphore_mem>>
      %dma_start3A_392 = arith.constant 0 : i32
      %dma_start3A_393 = tpu.memref_slice %arg8[%add3A_381, %dma_start3A_392] : memref<819200x64xf32, #tpu.memory_space<hbm>> -> memref<128x64xf32, #tpu.memory_space<hbm>>
      %dma_start3A_394 = arith.constant 0 : i32
      %dma_start3A_395 = arith.constant 0 : i32
      %dma_start3A_396 = tpu.memref_slice %arg12[%dma_start3A_382, %dma_start3A_394, %dma_start3A_395] : memref<2x128x64xf32, #tpu.memory_space<vmem>> -> memref<1x128x64xf32, #tpu.memory_space<vmem>>
      %dma_start3A_397 = tpu.memref_squeeze %dma_start3A_396 : memref<1x128x64xf32, #tpu.memory_space<vmem>> -> memref<128x64xf32, #tpu.memory_space<vmem>>
      tpu.enqueue_dma source(%dma_start3A_397 : memref<128x64xf32, #tpu.memory_space<vmem>>) target(%dma_start3A_393 : memref<128x64xf32, #tpu.memory_space<hbm>>) target_semaphore(%dma_start3A_391 : memref<!tpu.dma_semaphore, #tpu.memory_space<semaphore_mem>>)
      %scan3A_398 = arith.constant 0 : i32
      scf.yield %scan3A_398 : i32
    }
    %scan3A_145 = arith.constant 100 : i32
    %add3A_146 = arith.constant 25472 : i32
    %add3A_147 = arith.addi %mul3A_2, %add3A_146 : i32
    %dma_wait3A_148 = arith.constant 1 : i32
    %dma_wait3A_149 = arith.constant 1 : i32
    %dma_wait3A_150 = arith.constant 0 : i32
    %dma_wait3A_151 = arith.constant 0 : i32
    %dma_wait3A_152 = tpu.memref_slice %arg12[%dma_wait3A_148, %dma_wait3A_150, %dma_wait3A_151] : memref<2x128x64xf32, #tpu.memory_space<vmem>> -> memref<1x128x64xf32, #tpu.memory_space<vmem>>
    %dma_wait3A_153 = tpu.memref_squeeze %dma_wait3A_152 : memref<1x128x64xf32, #tpu.memory_space<vmem>> -> memref<128x64xf32, #tpu.memory_space<vmem>>
    %dma_wait3A_154 = arith.constant 0 : i32
    %dma_wait3A_155 = tpu.memref_slice %arg8[%add3A_147, %dma_wait3A_154] : memref<819200x64xf32, #tpu.memory_space<hbm>> -> memref<128x64xf32, #tpu.memory_space<hbm>>
    %dma_wait3A_156 = tpu.memref_slice %arg18[%dma_wait3A_149] : memref<2x!tpu.dma_semaphore, #tpu.memory_space<semaphore_mem>> -> memref<1x!tpu.dma_semaphore, #tpu.memory_space<semaphore_mem>>
    %dma_wait3A_157 = tpu.memref_squeeze %dma_wait3A_156 : memref<1x!tpu.dma_semaphore, #tpu.memory_space<semaphore_mem>> -> memref<!tpu.dma_semaphore, #tpu.memory_space<semaphore_mem>>
    %dma_wait3A_158 = arith.constant 0 : i32
    %dma_wait3A_159 = tpu.memref_slice %arg8[%add3A_147, %dma_wait3A_158] : memref<819200x64xf32, #tpu.memory_space<hbm>> -> memref<128x64xf32, #tpu.memory_space<hbm>>
    %dma_wait3A_160 = arith.constant 0 : i32
    %dma_wait3A_161 = arith.constant 0 : i32
    %dma_wait3A_162 = tpu.memref_slice %arg12[%dma_wait3A_148, %dma_wait3A_160, %dma_wait3A_161] : memref<2x128x64xf32, #tpu.memory_space<vmem>> -> memref<1x128x64xf32, #tpu.memory_space<vmem>>
    %dma_wait3A_163 = tpu.memref_squeeze %dma_wait3A_162 : memref<1x128x64xf32, #tpu.memory_space<vmem>> -> memref<128x64xf32, #tpu.memory_space<vmem>>
    tpu.wait_dma2 semaphore(%dma_wait3A_157 : memref<!tpu.dma_semaphore, #tpu.memory_space<semaphore_mem>>) src(%dma_wait3A_163 : memref<128x64xf32, #tpu.memory_space<vmem>>) dst(%dma_wait3A_159 : memref<128x64xf32, #tpu.memory_space<hbm>>)
    return
  }
}

</mosaic_0001>

<sc_bundles>
// kernel: kernel.3.cloned.1.call-start
scs
__scs_entry_jumppad:
0x0: {  	(pc) =	sbr.rel $0x88, $3  }
0x1: {  	(tag) =	ssettag $0x0;
	lr =	simm.s32 $0x1  }
0x2: {  	[smem:$0x3F9B] =	sst lr;
	_ =	strace $0xD0000000  }
0x3: {  	_ = 	snop  }
0x4: {  	_ = 	snop  }
0x5: {  	_ = 	snop  }
0x6: {  	_ = 	snop  }
0x7: {  	_ = 	snop  }
__scs_overlays_trampoline_lowered:
0x8: {  	[smem:$0x3FAA] =	sst s0  }
0x9: {  	[smem:$0x3FAB] =	sst s1  }
0xa: {  	[smem:$0x3FAC] =	sst s2  }
0xb: {  	[smem:$0x3FAD] =	sst s3  }
0xc: {  	[smem:$0x3FAE] =	sst s4  }
0xd: {  	[smem:$0x3FAF] =	sst s5  }
0xe: {  	[smem:$0x3FB0] =	sst s6  }
0xf: {  	[smem:$0x3FB1] =	sst s7  }
0x10: {  	[smem:$0x3FB2] =	sst s8  }
0x11: {  	[smem:$0x3FB3] =	sst s9;
	s0 =	simm.s32 @!p0 $0x0  }
0x12: {  	s1 =	sld [smem:$0x3F99];
	s0 =	simm.s32 @p0 $0x1  }
0x13: {  	[smem:$0x3FB4] =	sst s0;
	s0 =	simm.s32 @!p1 $0x0  }
0x14: {  	s2 =	sld [smem:$0x3F98];
	s0 =	simm.s32 @p1 $0x1  }
0x15: {  	[smem:$0x3FB5] =	sst s0;
	s0 =	simm.s32 @!p2 $0x0  }
0x16: {  	s3 =	sld [smem:$0x3FDB];
	s0 =	simm.s32 @p2 $0x1  }
0x17: {  	s4 =	simm.s32 $0x1BF5;
	[smem:$0x3FB7] =	sst s0  }
0x18: {  	s0 =	sld [smem:$0x3F9A];
	_ =	swait.ge [sflag:s4], $0x0  }
0x19: {  	s7 =	sld [smem:$0x3F9B]  }
0x1a: {  	s8 =	sadd.s32 $0xFFFFE003, lr  }
0x1b: {  	s9 =	sadd.s32 $0xFFFFFEF7, lr;
	s5 =	simm.s32 $0xFFFFFFFF;
	p2 =	slt.u32 s8, $0xFFFFF086  }
0x1c: {  	p1 =	slt.u32 s9, $0xF7A;
	s5 =	simm.s32 @!p2 $0x0  }
0x1d: {  	s5 =	simm.s32 @p1 $0x1;
	p0 =	seq.s32 s7, s2  }
0x1e: {  	s7 =	smul.u32 @!p0 $0xF7A, s2;
	p2 =	seq.s32 @!p0 s5, $0x0  }
0x1f: {  	s9 =	smul.u32 $0xF7A, s1;
	s8 =	simm.s32 @!p0 $0x1BF5;
	p2 =	por !p2, p0  }
0x20: {  	[sflag:s8] =	ssyncset.s32 @!p0 $0xFFFFF086;
	s6 =	sadd.s32 @!p0 s3, s7;
	s7 =	simm.s32 @!p0 $0x108  }
0x21: {  	s3 =	sadd.s32 s3, s9;
	s6 =	sadd.s32 @!p0 $0x88, s6;
	s7 =	simm.s32 @p2 $0x1082  }
0x22: {  	[simem:s7], [sflag:s8] =	dma.local @!p0 [hbm:s6], $0xF7A  }
0x23: {  	s9 =	sor.u32 $0xD0000000, s2;
	s6 =	simm.s32 $0x108;
	_ =	swait.ge @!p0 [sflag:s8], $0x0  }
0x24: {  	s3 =	sadd.s32 $0x88, s3;
	s6 =	simm.s32 @!p1 $0x1082;
	[sflag:s4] =	ssyncset.s32 $0xFFFFF086  }
0x25: {  	[simem:s6], [sflag:s4] =	dma.local [hbm:s3], $0xF7A  }
0x26: {  	[smem:$0x3F9B] =	sst s1;
	(tag) =	ssettag s2;
	_ =	strace s9  }
0x27: {  	s1 =	sld [smem:$0x3FAB]  }
0x28: {  	s2 =	sld [smem:$0x3FAC]  }
0x29: {  	s4 =	sld [smem:$0x3FAE]  }
0x2a: {  	p0 =	seq.s32 s5, $0x0;
	s5 =	sld [smem:$0x3FAF]  }
0x2b: {  	s6 =	sld [smem:$0x3FB0]  }
0x2c: {  	s7 =	sld [smem:$0x3FB1]  }
0x2d: {  	s3 =	simm.s32 $0x108;
	s8 =	sld [smem:$0x3FB2]  }
0x2e: {  	s3 =	simm.s32 @!p0 $0x1082;
	s9 =	sld [smem:$0x3FB3]  }
0x2f: {  	lr =	sadd.s32 s0, s3;
	s0 =	sld [smem:$0x3FAA]  }
0x30: {  	s3 =	sld [smem:$0x3FAD]  }
0x31: {  	[smem:$0x3FB6] =	sst s10  }
0x32: {  	s10 =	sld [smem:$0x3FB4];
	_ =	sdelay $0x3  }
0x33: {  	p0 =	seq.s32 s10, $0x1;
	s10 =	sld [smem:$0x3FB6];
	_ =	sdelay $0x3  }
0x34: {  	[smem:$0x3FB6] =	sst s10  }
0x35: {  	s10 =	sld [smem:$0x3FB5];
	_ =	sdelay $0x3  }
0x36: {  	p1 =	seq.s32 s10, $0x1;
	s10 =	sld [smem:$0x3FB6];
	_ =	sdelay $0x3  }
0x37: {  	[smem:$0x3FB6] =	sst s10  }
0x38: {  	s10 =	sld [smem:$0x3FB7]  }
0x39: {  	_ = 	snop;
	(pc) =	sbr.ind lr, $3  }
0x3a: {  	_ = 	snop  }
0x3b: {  	_ = 	snop  }
0x3c: {  	p2 =	seq.s32 s10, $0x1;
	s10 =	sld [smem:$0x3FB6]  }
0x3d: {  	_ =	shalt  }
0x3e: {  	_ =	shalt  }
0x3f: {  	_ =	shalt  }
0x40: {  	_ =	shalt  }
0x41: {  	_ =	shalt  }
0x42: {  	_ =	shalt  }
0x43: {  	_ =	shalt  }
0x44: {  	_ =	shalt  }
0x45: {  	_ =	shalt  }
0x46: {  	_ =	shalt  }
0x47: {  	_ =	shalt  }
0x48: {  	_ =	shalt  }
0x49: {  	_ =	shalt  }
0x4a: {  	_ =	shalt  }
0x4b: {  	_ =	shalt  }
0x4c: {  	_ =	shalt  }
0x4d: {  	_ =	shalt  }
0x4e: {  	_ =	shalt  }
0x4f: {  	_ =	shalt  }
0x50: {  	_ =	shalt  }
0x51: {  	_ =	shalt  }
0x52: {  	_ =	shalt  }
0x53: {  	_ =	shalt  }
0x54: {  	_ =	shalt  }
0x55: {  	_ =	shalt  }
0x56: {  	_ =	shalt  }
0x57: {  	_ =	shalt  }
0x58: {  	_ =	shalt  }
0x59: {  	_ =	shalt  }
0x5a: {  	_ =	shalt  }
0x5b: {  	_ =	shalt  }
0x5c: {  	_ =	shalt  }
0x5d: {  	_ =	shalt  }
0x5e: {  	_ =	shalt  }
0x5f: {  	_ =	shalt  }
0x60: {  	_ =	shalt  }
0x61: {  	_ =	shalt  }
0x62: {  	_ =	shalt  }
0x63: {  	_ =	shalt  }
0x64: {  	_ =	shalt  }
0x65: {  	_ =	shalt  }
0x66: {  	_ =	shalt  }
0x67: {  	_ =	shalt  }
0x68: {  	_ =	shalt  }
0x69: {  	_ =	shalt  }
0x6a: {  	_ =	shalt  }
0x6b: {  	_ =	shalt  }
0x6c: {  	_ =	shalt  }
0x6d: {  	_ =	shalt  }
0x6e: {  	_ =	shalt  }
0x6f: {  	_ =	shalt  }
0x70: {  	_ =	shalt  }
0x71: {  	_ =	shalt  }
0x72: {  	_ =	shalt  }
0x73: {  	_ =	shalt  }
0x74: {  	_ =	shalt  }
0x75: {  	_ =	shalt  }
0x76: {  	_ =	shalt  }
0x77: {  	_ =	shalt  }
0x78: {  	_ =	shalt  }
0x79: {  	_ =	shalt  }
0x7a: {  	_ =	shalt  }
0x7b: {  	_ =	shalt  }
0x7c: {  	_ =	shalt  }
0x7d: {  	_ =	shalt  }
0x7e: {  	_ =	shalt  }
0x7f: {  	_ =	shalt  }
0x80: {  	_ =	shalt  }
0x81: {  	_ =	shalt  }
0x82: {  	_ =	shalt  }
0x83: {  	_ =	shalt  }
0x84: {  	_ =	shalt  }
0x85: {  	_ =	shalt  }
0x86: {  	_ =	shalt  }
0x87: {  	_ =	shalt  }
.Lfunc_end0:
.L_simem_size_0:
called_computation.1_lowered:
.L_overlay_start_0:
0x88: {  	s2 =	sld [smem:$0x3FD9]  }
0x89: {  	s3 =	sld [smem:$0x3FFE];
	_ =	sdelay $0x1  }
0x8a: {  	s1 =	srdreg.scid  }
0x8b: {  	s0 =	sand.u32 $0x1, s1  }
0x8c: {  	s17 =	sshll.u32 s0, $0xA;
	s2 =	sadd.s32 s3, s2  }
0x8d: {  	s2 =	sadd.s32 s2, s17  }
0x8e: {  	[smem:$0x3FC2] =	sst s2  }
0x8f: {  	_ = 	snop  }
0x90: {  	s2 =	sld [smem:$0x3FD0];
	(tm) =	ssettm $0x1  }
0x91: {  	s18 =	sld [smem:$0x3FFB];
	_ =	sdelay $0x3  }
0x92: {  	_ =	strace s18  }
0x93: {  	s3 =	sld [smem:$0x3FFC];
	_ =	sdelay $0x3  }
0x94: {  	_ =	strace s3  }
0x95: {  	s3 =	sld [smem:$0x3FFD];
	_ =	sdelay $0x3  }
0x96: {  	_ =	strace s3  }
0x97: {  	_ =	strace $0x8FFFFFFF  }
0x98: {  	s19 =	sld [smem:$0x3FDB];
	_ =	sdelay $0x1  }
0x99: {  	s4 =	simm.s32 $_scs_section_size  }
0x9a: {  	s5 =	simm.s32 $_size__tile_overlayer_lowered;
	s6 =	simm.s32 $_tile_overlayer_lowered  }
0x9b: {  	s22 =	simm.s32 $0x1BFF;
	s21 =	sshll.u32 s6, $0x1;
	s3 =	sadd.s32 s4, s19  }
0x9c: {  	s7 =	simm.s32 $0x0;
	s20 =	sshll.u32 s5, $0x1;
	s5 =	sadd.s32 s21, s3  }
0x9d: {  	[timem:s7], [sflag:s22] =	dma.local [hbm:s5], s20  }
0x9e: {  	_ =	swait.ge [sflag:s22], s20  }
0x9f: {  	s4 =	ssub.s32 $0x0, s20;
	[sflag:s22] =	ssyncset.done $0x0  }
0xa0: {  	[sflag:s22] =	ssyncadd.s32 s4;
	_ =	sdelay $0x1  }
0xa1: {  	s23 =	simm.s32 $0x1B8B  }
0xa2: {  	_ =	swait.ge [sflag:s23], $0x1  }
0xa3: {  	[sflag:s23] =	ssyncset.done $0x0  }
0xa4: {  	s25 =	simm.s32 $0x1B8E;
	s24 =	sld [smem:$0x3FFE];
	[sflag:s23] =	ssyncadd.s32 $0xFFFFFFFF  }
0xa5: {  	s26 =	simm.s32 $execute0_lowered;
	[smem:$0x3FD2] =	sst s25  }
0xa6: {  	s5 =	sshll.u32 s26, $0x1;
	_ =	strace $0x80000046;
	[dreg:$0x1] =	wrdreg $0xFFFFFFFF  }
0xa7: {  	s28 =	simm.s32 $_size_execute0_lowered;
	s3 =	sadd.s32 s3, s5;
	[dreg:$0x0] =	wrdreg $0x0  }
0xa8: {  	s5 =	sshll.u32 s28, $0x1;
	[dreg:$0x2] =	wrdreg s3  }
0xa9: {  	[dreg:$0x3] =	wrdreg s5  }
0xaa: {  	[dreg:$0x4] =	wrdreg $0xC0  }
0xab: {  	_ =	task [dreg:s7], $0x5FFFF  }
0xac: {  	[dreg:$0x1] =	wrdreg $0xFFFFFFFF  }
0xad: {  	[dreg:$0x0] =	wrdreg $0x60  }
0xae: {  	[dreg:$0x2] =	wrdreg s24  }
0xaf: {  	[dreg:$0x3] =	wrdreg s2  }
0xb0: {  	[dreg:$0x4] =	wrdreg $0x43000  }
0xb1: {  	[dreg:$0x5] =	wrdreg $0x4B000  }
0xb2: {  	[dreg:$0x6] =	wrdreg $0x9  }
0xb3: {  	_ =	task.clear_ibuf [dreg:s7], $0x7FFFF;
	_ =	strace $0x90000046  }
0xb4: {  	s29 =	simm.s32 $0x9;
	_ =	strace $0x80000048  }
0xb5: {  	_ =	swait.ge [sflag:s29], $0x1  }
0xb6: {  	[sflag:s29] =	ssyncadd.s32 $0xFFFFFFFF  }
0xb7: {  	_ =	strace $0x90000048  }
0xb8: {  	_ =	sfence  }
0xb9: {  	s30 =	sld [smem:$0x0];
	_ =	sdelay $0x2  }
0xba: {  	s31 =	sshll.u32 s1, $0xD;
	s1 =	sshrl.u32 s1, $0x2  }
0xbb: {  	s3 =	sand.u32 $0x4000, s31;
	s1 =	sadd.s32 s1, s30  }
0xbc: {  	s0 =	sor.u32 s3, s0;
	s1 =	sshll.u32 s1, $0x11  }
0xbd: {  	s0 =	sor.u32 s1, s0  }
0xbe: {  	s0 =	sadd.s32 $0x8F2B, s0  }
0xbf: {  	[sflag:s0] =	ssyncadd.remote.s32 $0x1  }
0xc0: {  	_ =	sfence.sel $0xFFFF  }
0xc1: {  	[dreg:$0x0] =	wrdreg $0xFFFFFFFF;
	(pc) =	sbr.abs _section_cstart, $3  }
0xc2: {  	[dreg:$0x1] =	wrdreg $0xFFFFFFFF  }
0xc3: {  	_ =	task.clear_ibuf [dreg:s7], $0x2FFFF;
	_ =	strace $0x9FFFFFFF  }
0xc4: {  	(tm) =	ssettm $0x7FFFFFFF  }
0xc5: {  	_ =	shalt  }
tec
execute0_lowered:
.L_overlay_start_1:
0x0: {  	(tag) =	ssettag $0x1  }
0x1: {  	s0 =	rddreg [dreg:$0x0]  }
0x2: {  	s5 =	rddreg [dreg:$0x1]  }
0x3: {  	s1 =	rddreg [dreg:$0x2]  }
0x4: {  	s2 =	rddreg [dreg:$0x3];
	s3 =	simm.s32 $0x0;
	s4 =	srdreg.scid  }
0x5: {  	s9 =	stileid.u32;
	s28 =	simm.s32 $0x8;
	s29 =	simm.s32 $0x0  }
0x6: {  	[smem:$0x7FF] =	sst s3;
	s6 =	sadd.s32 $0x33200, s0;
	s7 =	sadd.s32 $0x1A200, s0  }
0x7: {  	s8 =	sadd.s32 $0x1200, s0;
	s12 =	sand.u32 $0x1, s4;
	s10 =	sshll.u32 s9, $0x1  }
0x8: {  	s11 =	smul.u32 $0xC800, s9;
	s4 =	sadd.s32 $0xF43600, s0;
	s14 =	sadd.s32 $0x4D200, s0  }
0x9: {  	s0 =	sadd.s32 $0x4C200, s0;
	p0 =	sne.s32 s9, $0x0;
	_ =	strace $0x80000047  }
0xa: {  	s10 =	sor.u32 s12, s10;
	s13 =	smul.u32 $0x6400, s12;
	[dreg:$0xb] =	wrdreg s14  }
0xb: {  	s17 =	ssub.s32 $0x2, s12;
	[dreg:$0xc] =	wrdreg s0;
	s26 =	smul.u32 $0x190000, s12  }
0xc: {  	s10 =	smul.u32 $0x6400, s10;
	s18 =	sshrl.u32 s17, $0x1;
	s13 =	sadd.s32 s13, s11  }
0xd: {  	s0 =	ssub.s32 s17, s18;
	s17 =	smul.u32 $0x320000, s9;
	s18 =	simm.s32 $0x80  }
0xe: {  	s10 =	sshrl.u32 s10, $0x3;
	s11 =	sor.u32 $0x180, s13;
	s0 =	smax.u32 s0, $0x1  }
0xf: {  	s13 =	sor.u32 $0x100, s13;
	s19 =	sadd.s32 s6, s10;
	[dreg:$0x13] =	wrdreg s0  }
0x10: {  	s20 =	sadd.s32 s7, s10;
	s21 =	sshrl.u32 s11, $0x3;
	[dreg:$0xd] =	wrdreg s19  }
0x11: {  	s22 =	sadd.s32 s8, s10;
	s15 =	sor.u32 $0x10, s10;
	[dreg:$0xe] =	wrdreg s20  }
0x12: {  	s25 =	sshrl.u32 s13, $0x3;
	[dreg:$0xf] =	wrdreg s22;
	s10 =	sadd.s32 s6, s15  }
0x13: {  	s30 =	sadd.s32 s26, s17;
	s23 =	sadd.s32 s21, s8;
	[dreg:$0x10] =	wrdreg s10  }
0x14: {  	s17 =	simm.s32 $0x200;
	s24 =	sadd.s32 s7, s15;
	[dreg:$0x5] =	wrdreg s23  }
0x15: {  	s26 =	simm.s32 $0x4;
	s16 =	sadd.s32 s21, s7;
	[dreg:$0x11] =	wrdreg s24  }
0x16: {  	s14 =	sadd.s32 s21, s6;
	s13 =	sadd.s32 s25, s8;
	[dreg:$0x6] =	wrdreg s16  }
0x17: {  	s8 =	sadd.s32 s8, s15;
	s7 =	sadd.s32 s25, s7;
	[dreg:$0x7] =	wrdreg s14  }
0x18: {  	s6 =	sadd.s32 s25, s6;
	s31 =	sshrl.u32 s30, $0x3;
	[dreg:$0x12] =	wrdreg s8  }
0x19: {  	s0 =	sor.u32 $0x2000, s30;
	s19 =	simm.s32 $0x300;
	[dreg:$0x8] =	wrdreg s13  }
0x1a: {  	s20 =	simm.s32 $0x180;
	s21 =	simm.s32 $0x280;
	[dreg:$0x9] =	wrdreg s7  }
0x1b: {  	s22 =	simm.s32 $0x2;
	s25 =	simm.s32 $0x7;
	[dreg:$0xa] =	wrdreg s6  }
0x1c: {  	s14 =	sadd.s32 s31, s5;
	s0 =	sshrl.u32 s0, $0x3;
	s16 =	simm.s32 $0x100  }
0x1d: {  	s23 =	simm.s32 $0x2300;
	s24 =	simm.s32 $0x3;
	s7 =	sadd.s32 s0, s5  }
.LBB2_1:
0x1e: {  	s0 =	sshrl.u32 @!p0 s1, $0x3;
	s5 =	simm.s32 @!p0 $0x1C09;
	s6 =	rddreg [dreg:$0xb]  }
0x1f: {  	[spmem:s0], [sflag:s5] =	dma.local @!p0 [hbm:s6], $0x1000  }
0x20: {  	s0 =	simm.s32 @!p0 $0x9  }
0x21: {  	_ =	swait.ge @!p0 [sflag:s0], $0x1000  }
0x22: {  	[sflag:s0] =	ssyncset.done @!p0 $0x0  }
0x23: {  	s6 =	sshrl.u32 @!p0 s2, $0x3;
	s8 =	rddreg [dreg:$0xc];
	[sflag:s0] =	ssyncadd.s32 @!p0 $0xFFFFF000  }
0x24: {  	[spmem:s6], [sflag:s5] =	dma.local @!p0 [hbm:s8], $0x1000  }
0x25: {  	_ =	swait.ge @!p0 [sflag:s0], $0x1000  }
0x26: {  	[sflag:s0] =	ssyncset.done @!p0 $0x0  }
0x27: {  	[sflag:s0] =	ssyncadd.s32 @!p0 $0xFFFFF000  }
0x28: {  	[bflag:$0x0] =	sbarrier.arrive $0xFFFF  }
0x29: {  	s8 =	rddreg [dreg:$0xd]  }
0x2a: {  	[tilespmem:s3], [sflag:$0x1] =	stream.linear.gather [hbm4b:s8+s3], $0x80, $0x38;
	[tilespmem:$0x5300] =	vst v63  }
0x2b: {  	s9 =	rddreg [dreg:$0xe]  }
0x2c: {  	[tilespmem:s16], [sflag:$0x1] =	stream.linear.gather [hbm4b:s9+s3], $0x80, $0x38;
	[tilespmem:$0x5300] =	vst v63  }
0x2d: {  	s11 =	simm.s32 $0x1;
	s10 =	rddreg [dreg:$0xf]  }
0x2e: {  	[tilespmem:s17], [sflag:$0x1] =	stream.linear.gather [hbm4b:s10+s3], $0x80, $0x38;
	[tilespmem:$0x5300] =	vst v63  }
0x2f: {  	_ =	swait.ge [sflag:s11], $0x80  }
0x30: {  	[sflag:s11] =	ssyncset.done $0x0  }
0x31: {  	[sflag:s11] =	ssyncadd.s32 $0xFFFFFF80  }
0x32: {  	_ =	swait.ge [sflag:s11], $0x80  }
0x33: {  	[sflag:s11] =	ssyncset.done $0x0  }
0x34: {  	[sflag:s11] =	ssyncadd.s32 $0xFFFFFF80  }
0x35: {  	_ =	swait.ge [sflag:s11], $0x80  }
0x36: {  	[sflag:s11] =	ssyncset.done $0x0  }
0x37: {  	[sflag:s11] =	ssyncadd.s32 $0xFFFFFF80  }
0x38: {  	[tilespmem:s19], [sflag:$0x3] =	stream.indirect.gather [hbm4b:s4+s18], $0x40, s3, s18, $0xb8;
	[tilespmem:$0x5300] =	vst v63  }
0x39: {  	p1 =	por $0x1, $0x1;
	s12 =	rddreg [dreg:$0x10]  }
0x3a: {  	[tilespmem:s18], [sflag:$0x2] =	stream.linear.gather [hbm4b:s12+s3], $0x80, $0x38;
	[tilespmem:$0x5300] =	vst v63  }
0x3b: {  	p1 =	por p1, p1;
	s13 =	rddreg [dreg:$0x11]  }
0x3c: {  	[tilespmem:s20], [sflag:$0x2] =	stream.linear.gather [hbm4b:s13+s3], $0x80, $0x38;
	[tilespmem:$0x5300] =	vst v63  }
0x3d: {  	s0 =	simm.s32 @!p1 $0x8;
	s15 =	rddreg [dreg:$0x12]  }
0x3e: {  	[tilespmem:s21], [sflag:$0x2] =	stream.linear.gather [hbm4b:s15+s3], $0x80, $0x38;
	[tilespmem:$0x5300] =	vst v63  }
0x3f: {  	_ =	swait.ge @!p1 [sflag:s0], $0x2000  }
0x40: {  	[sflag:s0] =	ssyncset.done @!p1 $0x0  }
0x41: {  	[sflag:s0] =	ssyncadd.s32 @!p1 $0xFFFFE000  }
0x42: {  	_ =	swait.ge [sflag:s22], $0x80  }
0x43: {  	[sflag:s22] =	ssyncset.done $0x0  }
0x44: {  	[sflag:s22] =	ssyncadd.s32 $0xFFFFFF80  }
0x45: {  	_ =	swait.ge [sflag:s22], $0x80  }
0x46: {  	[sflag:s22] =	ssyncset.done $0x0  }
0x47: {  	[sflag:s22] =	ssyncadd.s32 $0xFFFFFF80  }
0x48: {  	_ =	swait.ge [sflag:s22], $0x80  }
0x49: {  	[sflag:s22] =	ssyncset.done $0x0  }
0x4a: {  	[sflag:s22] =	ssyncadd.s32 $0xFFFFFF80  }
0x4b: {  	[tilespmem:s23], [sflag:$0x4] =	stream.indirect.gather [hbm4b:s4+s18], $0x40, s18, s18, $0xb8;
	[tilespmem:$0x5300] =	vst v63  }
0x4c: {  	_ =	swait.ge [sflag:s24], $0x2000  }
0x4d: {  	[sflag:s24] =	ssyncset.done $0x0  }
0x4e: {  	p1 =	por $0x0, $0x0;
	[sflag:s24] =	ssyncadd.s32 $0xFFFFE000  }
0x4f: {  	[tilespmem:s19], [sflag:$0x5] =	stream.indirect.gather.add.f32 [spmem:s1], $0x40, s16, s18, $0xb8;
	[tilespmem:$0x5300] =	vst v63  }
0x50: {  	s0 =	simm.s32 @p1 $0x5  }
0x51: {  	[tilespmem:s19], [sflag:$0x5] =	stream.indirect.gather.add.f32 [spmem:s2], $0x40, s17, s18, $0xb8;
	[tilespmem:$0x5300] =	vst v63  }
0x52: {  	_ =	swait.ge @p1 [sflag:s0], $0x2000  }
0x53: {  	[sflag:s0] =	ssyncset.done @p1 $0x0  }
0x54: {  	[sflag:s0] =	ssyncadd.s32 @p1 $0xFFFFE000  }
0x55: {  	_ =	swait.ge @p1 [sflag:s0], $0x2000  }
0x56: {  	s6 =	simm.s32 @!p1 $0x5;
	s5 =	rddreg [dreg:$0xa];
	[sflag:s0] =	ssyncset.done @p1 $0x0  }
0x57: {  	[sflag:s0] =	ssyncadd.s32 @p1 $0xFFFFE000;
	s5 =	sadd.s32 @!p1 $0x0, s5;
	s0 =	simm.s32 @!p1 $0x0  }
0x58: {  	[tilespmem:s0], [sflag:$0x1] =	stream.linear.gather @!p1 [hbm4b:s5+s0], $0x80, $0x38;
	[tilespmem:$0x5300] =	vst v63  }
0x59: {  	_ =	swait.ge @!p1 [sflag:s6], $0x2000  }
0x5a: {  	[sflag:s6] =	ssyncset.done @!p1 $0x0  }
0x5b: {  	[sflag:s6] =	ssyncadd.s32 @!p1 $0xFFFFE000  }
0x5c: {  	_ =	swait.ge @!p1 [sflag:s6], $0x2000  }
0x5d: {  	s5 =	rddreg [dreg:$0x9]  }
0x5e: {  	[sflag:s6] =	ssyncset.done @!p1 $0x0;
	s8 =	rddreg [dreg:$0x8]  }
0x5f: {  	[sflag:s6] =	ssyncadd.s32 @!p1 $0xFFFFE000;
	s5 =	sadd.s32 @!p1 $0x0, s5;
	s6 =	simm.s32 @!p1 $0x100  }
0x60: {  	[tilespmem:s6], [sflag:$0x1] =	stream.linear.gather @!p1 [hbm4b:s5+s0], $0x80, $0x38;
	[tilespmem:$0x5300] =	vst v63  }
0x61: {  	s5 =	simm.s32 @!p1 $0x200;
	s6 =	sadd.s32 @!p1 $0x0, s8  }
0x62: {  	[tilespmem:s5], [sflag:$0x1] =	stream.linear.gather @!p1 [hbm4b:s6+s0], $0x80, $0x38;
	[tilespmem:$0x5300] =	vst v63  }
0x63: {  	_ = 	snop  }
0x64: {  	[hbm4b:s14+s3] =	stream.linear.scatter [tilespmem:s19], [sflag:$0x7], $0x2000, $0x38;
	[tilespmem:$0x5300] =	vst v63  }
0x65: {  	_ =	swait.ge [sflag:s25], $0x2000  }
0x66: {  	p2 =	por $0x0, $0x0;
	[sflag:s25] =	ssyncset.done $0x0  }
0x67: {  	s5 =	simm.s32 @!p2 $0x1;
	[sflag:s25] =	ssyncadd.s32 $0xFFFFE000  }
0x68: {  	_ =	swait.ge @!p2 [sflag:s5], $0x80  }
0x69: {  	[sflag:s5] =	ssyncset.done @!p2 $0x0  }
0x6a: {  	[sflag:s5] =	ssyncadd.s32 @!p2 $0xFFFFFF80  }
0x6b: {  	_ =	swait.ge @!p2 [sflag:s5], $0x80  }
0x6c: {  	[sflag:s5] =	ssyncset.done @!p2 $0x0  }
0x6d: {  	[sflag:s5] =	ssyncadd.s32 @!p2 $0xFFFFFF80  }
0x6e: {  	_ =	swait.ge @!p2 [sflag:s5], $0x80  }
0x6f: {  	s9 =	simm.s32 @!p2 $0x0;
	[sflag:s5] =	ssyncset.done @!p2 $0x0  }
0x70: {  	s8 =	simm.s32 @!p2 $0x80;
	s6 =	simm.s32 @!p2 $0x300;
	[sflag:s5] =	ssyncadd.s32 @!p2 $0xFFFFFF80  }
0x71: {  	[tilespmem:s6], [sflag:$0x3] =	stream.indirect.gather @!p2 [hbm4b:s4+s8], $0x40, s9, s8, $0xb8;
	[tilespmem:$0x5300] =	vst v63  }
0x72: {  	_ =	swait.ge [sflag:s26], $0x2000  }
0x73: {  	[sflag:s26] =	ssyncset.done $0x0  }
0x74: {  	[sflag:s26] =	ssyncadd.s32 $0xFFFFE000  }
0x75: {  	[tilespmem:s23], [sflag:$0x6] =	stream.indirect.gather.add.f32 [spmem:s1], $0x40, s20, s18, $0xb8;
	[tilespmem:$0x5300] =	vst v63  }
0x76: {  	s5 =	simm.s32 @p1 $0x6  }
0x77: {  	[tilespmem:s23], [sflag:$0x6] =	stream.indirect.gather.add.f32 [spmem:s2], $0x40, s21, s18, $0xb8;
	[tilespmem:$0x5300] =	vst v63  }
0x78: {  	_ =	swait.ge @p1 [sflag:s5], $0x2000  }
0x79: {  	[sflag:s5] =	ssyncset.done @p1 $0x0  }
0x7a: {  	[sflag:s5] =	ssyncadd.s32 @p1 $0xFFFFE000  }
0x7b: {  	_ =	swait.ge @p1 [sflag:s5], $0x2000  }
0x7c: {  	s8 =	simm.s32 @!p1 $0x6;
	s6 =	rddreg [dreg:$0x7];
	[sflag:s5] =	ssyncset.done @p1 $0x0  }
0x7d: {  	[sflag:s5] =	ssyncadd.s32 @p1 $0xFFFFE000;
	s5 =	simm.s32 @!p1 $0x80;
	s6 =	sadd.s32 @!p1 $0x0, s6  }
0x7e: {  	[tilespmem:s5], [sflag:$0x2] =	stream.linear.gather @!p1 [hbm4b:s6+s0], $0x80, $0x38;
	[tilespmem:$0x5300] =	vst v63  }
0x7f: {  	_ =	swait.ge @!p1 [sflag:s8], $0x2000  }
0x80: {  	[sflag:s8] =	ssyncset.done @!p1 $0x0  }
0x81: {  	[sflag:s8] =	ssyncadd.s32 @!p1 $0xFFFFE000  }
0x82: {  	_ =	swait.ge @!p1 [sflag:s8], $0x2000  }
0x83: {  	s5 =	rddreg [dreg:$0x6]  }
0x84: {  	p6 =	por $0x0, $0x0;
	[sflag:s8] =	ssyncset.done @!p1 $0x0;
	s6 =	rddreg [dreg:$0x5]  }
0x85: {  	[sflag:s8] =	ssyncadd.s32 @!p1 $0xFFFFE000;
	s5 =	sadd.s32 @!p1 $0x0, s5;
	s8 =	simm.s32 @!p1 $0x180  }
0x86: {  	[tilespmem:s8], [sflag:$0x2] =	stream.linear.gather @!p1 [hbm4b:s5+s0], $0x80, $0x38;
	[tilespmem:$0x5300] =	vst v63  }
0x87: {  	s30 =	simm.s32 $0x20;
	s6 =	sadd.s32 @!p1 $0x0, s6;
	s5 =	simm.s32 @!p1 $0x280  }
0x88: {  	[tilespmem:s5], [sflag:$0x2] =	stream.linear.gather @!p1 [hbm4b:s6+s0], $0x80, $0x38;
	[tilespmem:$0x5300] =	vst v63  }
0x89: {  	s31 =	sadd.s32 $0x800, s7;
	s15 =	smov.u32 s7;
	s6 =	simm.s32 $0x40  }
0x8a: {  	p1 =	por p6, p6;
	s0 =	simm.s32 $0x3;
	s5 =	sadd.s32 $0x800, s14  }
.LBB2_2:
0x8b: {  	s9 =	simm.s32 @!p1 $0x8  }
0x8c: {  	[hbm4b:s15+s3] =	stream.linear.scatter [tilespmem:s23], [sflag:$0x8], $0x2000, $0x38;
	[tilespmem:$0x5300] =	vst v63  }
0x8d: {  	_ =	swait.ge @!p1 [sflag:s9], $0x2000  }
0x8e: {  	[sflag:s9] =	ssyncset.done @!p1 $0x0  }
0x8f: {  	[sflag:s9] =	ssyncadd.s32 @!p1 $0xFFFFE000  }
0x90: {  	_ =	swait.ge [sflag:s22], $0x80  }
0x91: {  	[sflag:s22] =	ssyncset.done $0x0  }
0x92: {  	[sflag:s22] =	ssyncadd.s32 $0xFFFFFF80  }
0x93: {  	_ =	swait.ge [sflag:s22], $0x80  }
0x94: {  	[sflag:s22] =	ssyncset.done $0x0  }
0x95: {  	[sflag:s22] =	ssyncadd.s32 $0xFFFFFF80  }
0x96: {  	_ =	swait.ge [sflag:s22], $0x80  }
0x97: {  	[sflag:s22] =	ssyncset.done $0x0  }
0x98: {  	[sflag:s22] =	ssyncadd.s32 $0xFFFFFF80  }
0x99: {  	[tilespmem:s23], [sflag:$0x4] =	stream.indirect.gather [hbm4b:s4+s18], $0x40, s18, s18, $0xb8;
	[tilespmem:$0x5300] =	vst v63  }
0x9a: {  	_ =	swait.ge [sflag:s24], $0x2000  }
0x9b: {  	p3 =	seq.s32 s6, $0x0;
	s8 =	smov.u32 s30;
	[sflag:s24] =	ssyncset.done $0x0  }
0x9c: {  	p1 =	por p3, p3;
	p3 =	seq.s32 s8, $0xC60;
	[sflag:s24] =	ssyncadd.s32 $0xFFFFE000  }
0x9d: {  	[tilespmem:s19], [sflag:$0x5] =	stream.indirect.gather.add.f32 [spmem:s1], $0x40, s16, s18, $0xb8;
	[tilespmem:$0x5300] =	vst v63  }
0x9e: {  	s9 =	simm.s32 @p3 $0x5  }
0x9f: {  	[tilespmem:s19], [sflag:$0x5] =	stream.indirect.gather.add.f32 [spmem:s2], $0x40, s17, s18, $0xb8;
	[tilespmem:$0x5300] =	vst v63  }
0xa0: {  	_ =	swait.ge @p3 [sflag:s9], $0x2000  }
0xa1: {  	[sflag:s9] =	ssyncset.done @p3 $0x0  }
0xa2: {  	[sflag:s9] =	ssyncadd.s32 @p3 $0xFFFFE000  }
0xa3: {  	_ =	swait.ge @p3 [sflag:s9], $0x2000  }
0xa4: {  	s11 =	simm.s32 @!p3 $0x5;
	[sflag:s9] =	ssyncset.done @p3 $0x0;
	s10 =	rddreg [dreg:$0xa]  }
0xa5: {  	[sflag:s9] =	ssyncadd.s32 @p3 $0xFFFFE000;
	s10 =	sadd.s32 @!p3 s8, s10;
	s9 =	simm.s32 @!p3 $0x0  }
0xa6: {  	[tilespmem:s9], [sflag:$0x1] =	stream.linear.gather @!p3 [hbm4b:s10+s9], $0x80, $0x38;
	[tilespmem:$0x5300] =	vst v63  }
0xa7: {  	_ =	swait.ge @!p3 [sflag:s11], $0x2000  }
0xa8: {  	[sflag:s11] =	ssyncset.done @!p3 $0x0  }
0xa9: {  	[sflag:s11] =	ssyncadd.s32 @!p3 $0xFFFFE000  }
0xaa: {  	_ =	swait.ge @!p3 [sflag:s11], $0x2000  }
0xab: {  	s10 =	rddreg [dreg:$0x9]  }
0xac: {  	[sflag:s11] =	ssyncset.done @!p3 $0x0;
	s12 =	rddreg [dreg:$0x8]  }
0xad: {  	[sflag:s11] =	ssyncadd.s32 @!p3 $0xFFFFE000;
	s10 =	sadd.s32 @!p3 s8, s10;
	s11 =	simm.s32 @!p3 $0x100  }
0xae: {  	[tilespmem:s11], [sflag:$0x1] =	stream.linear.gather @!p3 [hbm4b:s10+s9], $0x80, $0x38;
	[tilespmem:$0x5300] =	vst v63  }
0xaf: {  	s13 =	simm.s32 @!p3 $0x200;
	s10 =	sadd.s32 @!p3 s8, s12  }
0xb0: {  	[tilespmem:s13], [sflag:$0x1] =	stream.linear.gather @!p3 [hbm4b:s10+s9], $0x80, $0x38;
	[tilespmem:$0x5300] =	vst v63  }
0xb1: {  	_ = 	snop  }
0xb2: {  	[hbm4b:s5+s3] =	stream.linear.scatter [tilespmem:s19], [sflag:$0x7], $0x2000, $0x38;
	[tilespmem:$0x5300] =	vst v63  }
0xb3: {  	_ =	swait.ge [sflag:s25], $0x2000  }
0xb4: {  	p4 =	sgt.u32 s0, $0xC6;
	[sflag:s25] =	ssyncset.done $0x0  }
0xb5: {  	s10 =	simm.s32 @!p4 $0x1;
	[sflag:s25] =	ssyncadd.s32 $0xFFFFE000  }
0xb6: {  	_ =	swait.ge @!p4 [sflag:s10], $0x80  }
0xb7: {  	[sflag:s10] =	ssyncset.done @!p4 $0x0  }
0xb8: {  	[sflag:s10] =	ssyncadd.s32 @!p4 $0xFFFFFF80  }
0xb9: {  	_ =	swait.ge @!p4 [sflag:s10], $0x80  }
0xba: {  	[sflag:s10] =	ssyncset.done @!p4 $0x0  }
0xbb: {  	[sflag:s10] =	ssyncadd.s32 @!p4 $0xFFFFFF80  }
0xbc: {  	_ =	swait.ge @!p4 [sflag:s10], $0x80  }
0xbd: {  	s11 =	simm.s32 @!p4 $0x300;
	[sflag:s10] =	ssyncset.done @!p4 $0x0  }
0xbe: {  	s12 =	simm.s32 @!p4 $0x80;
	s13 =	simm.s32 @!p4 $0x0;
	[sflag:s10] =	ssyncadd.s32 @!p4 $0xFFFFFF80  }
0xbf: {  	[tilespmem:s11], [sflag:$0x3] =	stream.indirect.gather @!p4 [hbm4b:s4+s12], $0x40, s13, s12, $0xb8;
	[tilespmem:$0x5300] =	vst v63  }
0xc0: {  	_ =	swait.ge [sflag:s26], $0x2000  }
0xc1: {  	[sflag:s26] =	ssyncset.done $0x0  }
0xc2: {  	[sflag:s26] =	ssyncadd.s32 $0xFFFFE000  }
0xc3: {  	[tilespmem:s23], [sflag:$0x6] =	stream.indirect.gather.add.f32 [spmem:s1], $0x40, s20, s18, $0xb8;
	[tilespmem:$0x5300] =	vst v63  }
0xc4: {  	s10 =	simm.s32 @p3 $0x6  }
0xc5: {  	[tilespmem:s23], [sflag:$0x6] =	stream.indirect.gather.add.f32 [spmem:s2], $0x40, s21, s18, $0xb8;
	[tilespmem:$0x5300] =	vst v63  }
0xc6: {  	_ =	swait.ge @p3 [sflag:s10], $0x2000  }
0xc7: {  	[sflag:s10] =	ssyncset.done @p3 $0x0  }
0xc8: {  	[sflag:s10] =	ssyncadd.s32 @p3 $0xFFFFE000  }
0xc9: {  	_ =	swait.ge @p3 [sflag:s10], $0x2000  }
0xca: {  	s12 =	simm.s32 @!p3 $0x6;
	[sflag:s10] =	ssyncset.done @p3 $0x0;
	s11 =	rddreg [dreg:$0x7]  }
0xcb: {  	[sflag:s10] =	ssyncadd.s32 @p3 $0xFFFFE000;
	s10 =	simm.s32 @!p3 $0x80;
	s11 =	sadd.s32 @!p3 s8, s11  }
0xcc: {  	[tilespmem:s10], [sflag:$0x2] =	stream.linear.gather @!p3 [hbm4b:s11+s9], $0x80, $0x38;
	[tilespmem:$0x5300] =	vst v63  }
0xcd: {  	_ =	swait.ge @!p3 [sflag:s12], $0x2000  }
0xce: {  	[sflag:s12] =	ssyncset.done @!p3 $0x0  }
0xcf: {  	s30 =	smov.u32 s6;
	s6 =	sadd.s32 $0x20, s6;
	[sflag:s12] =	ssyncadd.s32 @!p3 $0xFFFFE000  }
0xd0: {  	s15 =	smov.u32 s31;
	s0 =	sadd.s32 $0x2, s0;
	_ =	swait.ge @!p3 [sflag:s12], $0x2000  }
0xd1: {  	s31 =	sadd.s32 $0x800, s31;
	p2 =	sne.s32 s6, $0xC80;
	s10 =	rddreg [dreg:$0x6]  }
.Ltmp0:
0xd2: {  	[sflag:s12] =	ssyncset.done @!p3 $0x0;
	s11 =	rddreg [dreg:$0x5];
	(pc) =	sbr.rel @p2 .LBB2_2-.Ltmp0, $4  }
0xd3: {  	[sflag:s12] =	ssyncadd.s32 @!p3 $0xFFFFE000;
	s10 =	sadd.s32 @!p3 s8, s10;
	s12 =	simm.s32 @!p3 $0x180  }
0xd4: {  	[tilespmem:s12], [sflag:$0x2] =	stream.linear.gather @!p3 [hbm4b:s10+s9], $0x80, $0x38;
	[tilespmem:$0x5300] =	vst v63  }
0xd5: {  	s5 =	sadd.s32 $0x800, s5;
	s13 =	simm.s32 @!p3 $0x280;
	s8 =	sadd.s32 @!p3 s8, s11  }
0xd6: {  	[tilespmem:s13], [sflag:$0x2] =	stream.linear.gather @!p3 [hbm4b:s8+s9], $0x80, $0x38;
	[tilespmem:$0x5300] =	vst v63  }
0xd7: {  	s6 =	simm.s32 @!p1 $0x8  }
0xd8: {  	[hbm4b:s15+s3] =	stream.linear.scatter [tilespmem:s23], [sflag:$0x8], $0x2000, $0x38;
	[tilespmem:$0x5300] =	vst v63  }
0xd9: {  	_ =	swait.ge @!p1 [sflag:s6], $0x2000  }
0xda: {  	[sflag:s6] =	ssyncset.done @!p1 $0x0  }
0xdb: {  	[sflag:s6] =	ssyncadd.s32 @!p1 $0xFFFFE000  }
0xdc: {  	_ =	swait.ge [sflag:s22], $0x80  }
0xdd: {  	[sflag:s22] =	ssyncset.done $0x0  }
0xde: {  	[sflag:s22] =	ssyncadd.s32 $0xFFFFFF80  }
0xdf: {  	_ =	swait.ge [sflag:s22], $0x80  }
0xe0: {  	[sflag:s22] =	ssyncset.done $0x0  }
0xe1: {  	[sflag:s22] =	ssyncadd.s32 $0xFFFFFF80  }
0xe2: {  	_ =	swait.ge [sflag:s22], $0x80  }
0xe3: {  	[sflag:s22] =	ssyncset.done $0x0  }
0xe4: {  	[sflag:s22] =	ssyncadd.s32 $0xFFFFFF80  }
0xe5: {  	[tilespmem:s23], [sflag:$0x4] =	stream.indirect.gather [hbm4b:s4+s18], $0x40, s18, s18, $0xb8;
	[tilespmem:$0x5300] =	vst v63  }
0xe6: {  	_ =	swait.ge [sflag:s24], $0x2000  }
0xe7: {  	[sflag:s24] =	ssyncset.done $0x0  }
0xe8: {  	p1 =	seq.s32 s30, $0xC60;
	[sflag:s24] =	ssyncadd.s32 $0xFFFFE000  }
0xe9: {  	[tilespmem:s19], [sflag:$0x5] =	stream.indirect.gather.add.f32 [spmem:s1], $0x40, s16, s18, $0xb8;
	[tilespmem:$0x5300] =	vst v63  }
0xea: {  	s6 =	simm.s32 @p1 $0x5  }
0xeb: {  	[tilespmem:s19], [sflag:$0x5] =	stream.indirect.gather.add.f32 [spmem:s2], $0x40, s17, s18, $0xb8;
	[tilespmem:$0x5300] =	vst v63  }
0xec: {  	_ =	swait.ge @p1 [sflag:s6], $0x2000  }
0xed: {  	[sflag:s6] =	ssyncset.done @p1 $0x0  }
0xee: {  	[sflag:s6] =	ssyncadd.s32 @p1 $0xFFFFE000  }
0xef: {  	_ =	swait.ge @p1 [sflag:s6], $0x2000  }
0xf0: {  	s9 =	simm.s32 @!p1 $0x5;
	s8 =	rddreg [dreg:$0xa];
	[sflag:s6] =	ssyncset.done @p1 $0x0  }
0xf1: {  	[sflag:s6] =	ssyncadd.s32 @p1 $0xFFFFE000;
	s8 =	sadd.s32 @!p1 s30, s8;
	s6 =	simm.s32 @!p1 $0x0  }
0xf2: {  	[tilespmem:s6], [sflag:$0x1] =	stream.linear.gather @!p1 [hbm4b:s8+s6], $0x80, $0x38;
	[tilespmem:$0x5300] =	vst v63  }
0xf3: {  	_ =	swait.ge @!p1 [sflag:s9], $0x2000  }
0xf4: {  	[sflag:s9] =	ssyncset.done @!p1 $0x0  }
0xf5: {  	[sflag:s9] =	ssyncadd.s32 @!p1 $0xFFFFE000  }
0xf6: {  	_ =	swait.ge @!p1 [sflag:s9], $0x2000  }
0xf7: {  	s8 =	rddreg [dreg:$0x9]  }
0xf8: {  	[sflag:s9] =	ssyncset.done @!p1 $0x0;
	s10 =	rddreg [dreg:$0x8]  }
0xf9: {  	[sflag:s9] =	ssyncadd.s32 @!p1 $0xFFFFE000;
	s8 =	sadd.s32 @!p1 s30, s8;
	s9 =	simm.s32 @!p1 $0x100  }
0xfa: {  	[tilespmem:s9], [sflag:$0x1] =	stream.linear.gather @!p1 [hbm4b:s8+s6], $0x80, $0x38;
	[tilespmem:$0x5300] =	vst v63  }
0xfb: {  	s8 =	simm.s32 @!p1 $0x200;
	s9 =	sadd.s32 @!p1 s30, s10  }
0xfc: {  	[tilespmem:s8], [sflag:$0x1] =	stream.linear.gather @!p1 [hbm4b:s9+s6], $0x80, $0x38;
	[tilespmem:$0x5300] =	vst v63  }
0xfd: {  	_ = 	snop  }
0xfe: {  	[hbm4b:s5+s3] =	stream.linear.scatter [tilespmem:s19], [sflag:$0x7], $0x2000, $0x38;
	[tilespmem:$0x5300] =	vst v63  }
0xff: {  	_ =	swait.ge [sflag:s25], $0x2000  }
0x100: {  	p2 =	sgt.u32 s0, $0xC6;
	[sflag:s25] =	ssyncset.done $0x0  }
0x101: {  	s0 =	simm.s32 @!p2 $0x1;
	[sflag:s25] =	ssyncadd.s32 $0xFFFFE000  }
0x102: {  	_ =	swait.ge @!p2 [sflag:s0], $0x80  }
0x103: {  	[sflag:s0] =	ssyncset.done @!p2 $0x0  }
0x104: {  	[sflag:s0] =	ssyncadd.s32 @!p2 $0xFFFFFF80  }
0x105: {  	_ =	swait.ge @!p2 [sflag:s0], $0x80  }
0x106: {  	[sflag:s0] =	ssyncset.done @!p2 $0x0  }
0x107: {  	[sflag:s0] =	ssyncadd.s32 @!p2 $0xFFFFFF80  }
0x108: {  	_ =	swait.ge @!p2 [sflag:s0], $0x80  }
0x109: {  	s8 =	simm.s32 @!p2 $0x80;
	[sflag:s0] =	ssyncset.done @!p2 $0x0  }
0x10a: {  	s5 =	simm.s32 @!p2 $0x300;
	[sflag:s0] =	ssyncadd.s32 @!p2 $0xFFFFFF80;
	s0 =	simm.s32 @!p2 $0x0  }
0x10b: {  	[tilespmem:s5], [sflag:$0x3] =	stream.indirect.gather @!p2 [hbm4b:s4+s8], $0x40, s0, s8, $0xb8;
	[tilespmem:$0x5300] =	vst v63  }
0x10c: {  	_ =	swait.ge [sflag:s26], $0x2000  }
0x10d: {  	[sflag:s26] =	ssyncset.done $0x0  }
0x10e: {  	[sflag:s26] =	ssyncadd.s32 $0xFFFFE000  }
0x10f: {  	[tilespmem:s23], [sflag:$0x6] =	stream.indirect.gather.add.f32 [spmem:s1], $0x40, s20, s18, $0xb8;
	[tilespmem:$0x5300] =	vst v63  }
0x110: {  	s0 =	simm.s32 @p1 $0x6  }
0x111: {  	[tilespmem:s23], [sflag:$0x6] =	stream.indirect.gather.add.f32 [spmem:s2], $0x40, s21, s18, $0xb8;
	[tilespmem:$0x5300] =	vst v63  }
0x112: {  	_ =	swait.ge @p1 [sflag:s0], $0x2000  }
0x113: {  	[sflag:s0] =	ssyncset.done @p1 $0x0  }
0x114: {  	[sflag:s0] =	ssyncadd.s32 @p1 $0xFFFFE000  }
0x115: {  	_ =	swait.ge @p1 [sflag:s0], $0x2000  }
0x116: {  	s8 =	simm.s32 @!p1 $0x6;
	s5 =	rddreg [dreg:$0x7];
	[sflag:s0] =	ssyncset.done @p1 $0x0  }
0x117: {  	[sflag:s0] =	ssyncadd.s32 @p1 $0xFFFFE000;
	s0 =	simm.s32 @!p1 $0x80;
	s5 =	sadd.s32 @!p1 s30, s5  }
0x118: {  	[tilespmem:s0], [sflag:$0x2] =	stream.linear.gather @!p1 [hbm4b:s5+s6], $0x80, $0x38;
	[tilespmem:$0x5300] =	vst v63  }
0x119: {  	_ =	swait.ge @!p1 [sflag:s8], $0x2000  }
0x11a: {  	[sflag:s8] =	ssyncset.done @!p1 $0x0  }
0x11b: {  	[sflag:s8] =	ssyncadd.s32 @!p1 $0xFFFFE000  }
0x11c: {  	_ =	swait.ge @!p1 [sflag:s8], $0x2000  }
0x11d: {  	s0 =	rddreg [dreg:$0x6]  }
0x11e: {  	[sflag:s8] =	ssyncset.done @!p1 $0x0;
	s5 =	rddreg [dreg:$0x5]  }
0x11f: {  	[sflag:s8] =	ssyncadd.s32 @!p1 $0xFFFFE000;
	s0 =	sadd.s32 @!p1 s30, s0;
	s8 =	simm.s32 @!p1 $0x180  }
0x120: {  	[tilespmem:s8], [sflag:$0x2] =	stream.linear.gather @!p1 [hbm4b:s0+s6], $0x80, $0x38;
	[tilespmem:$0x5300] =	vst v63  }
0x121: {  	s0 =	sadd.s32 @!p1 s30, s5;
	s5 =	simm.s32 @!p1 $0x280  }
0x122: {  	[tilespmem:s5], [sflag:$0x2] =	stream.linear.gather @!p1 [hbm4b:s0+s6], $0x80, $0x38;
	[tilespmem:$0x5300] =	vst v63  }
0x123: {  	_ = 	snop  }
0x124: {  	[hbm4b:s31+s3] =	stream.linear.scatter [tilespmem:s23], [sflag:$0x8], $0x2000, $0x38;
	[tilespmem:$0x5300] =	vst v63  }
0x125: {  	_ =	swait.ge [sflag:s28], $0x2000  }
0x126: {  	s29 =	sadd.s32 $0x1, s29;
	s31 =	rddreg [dreg:$0x13]  }
0x127: {  	p1 =	sne.s32 s29, s31  }
.Ltmp1:
0x128: {  	_ = 	snop;
	(pc) =	sbr.rel @p1 .LBB2_1-.Ltmp1, $3  }
0x129: {  	_ =	sdelay $0x1  }
0x12a: {  	[sflag:s28] =	ssyncset.done $0x0  }
0x12b: {  	[sflag:s28] =	ssyncadd.s32 $0xFFFFE000  }
0x12c: {  	_ =	sfence.sel $0x180000  }
0x12d: {  	[bflag:$0x0] =	sbarrier.arrive $0xFFFF  }
0x12e: {  	_ =	strace $0x90000047  }
0x12f: {  	[bflag:$0x2] =	sbarrier.arrive $0xFFFF  }
0x130: {  	s0 =	rddreg [dreg:$0x4]  }
0x131: {  	s0 =	sadd.s32 @!p0 $0x100000, s0  }
0x132: {  	[sflag:s0] =	ssyncadd.tile.s32 @!p0 $0x1;
	_ =	shalt  }
.Lfunc_end2:
_tile_overlayer_lowered:
.L_overlay_start_2:
0x133: {  	(tag) =	ssettag $0x2  }
0x134: {  	s0 =	rddreg [dreg:$0x0];
	s2 =	stileid.u32  }
0x135: {  	s1 =	rddreg [dreg:$0x1];
	p0 =	sne.s32 s2, $0x0  }
0x136: {  	s3 =	rddreg [dreg:$0x2];
	[bflag:$0x3] =	sbarrier.arrive $0xFFFF;
	s2 =	simm.s32 @!p0 $0x1C09  }
0x137: {  	[timem:s3], [sflag:s2] =	dma.local @!p0 [hbm:s0], s1  }
0x138: {  	s0 =	simm.s32 @!p0 $0x9  }
0x139: {  	_ =	swait.ge @!p0 [sflag:s0], s1  }
0x13a: {  	s1 =	ssub.s32 @!p0 $0x0, s1;
	[sflag:s0] =	ssyncset.done @!p0 $0x0  }
0x13b: {  	[sflag:s0] =	ssyncadd.s32 @!p0 s1  }
0x13c: {  	[bflag:$0x3] =	sbarrier.arrive $0xFFFF  }
0x13d: {  	_ =	shalt  }

// kernel: sparse-core-data-format-call.cloned.1.call-start
scs
called_computation_lowered:
.L_overlay_start_0:
0x0: {  	s2 =	sld [smem:$0x3FD9]  }
0x1: {  	s3 =	sld [smem:$0x3FFE];
	_ =	sdelay $0x1  }
0x2: {  	s1 =	srdreg.scid  }
0x3: {  	s0 =	sand.u32 $0x1, s1  }
0x4: {  	s18 =	sshll.u32 s0, $0xA;
	s2 =	sadd.s32 s3, s2  }
0x5: {  	s2 =	sadd.s32 s2, s18  }
0x6: {  	[smem:$0x3FC2] =	sst s2  }
0x7: {  	_ = 	snop  }
0x8: {  	s2 =	sld [smem:$0x3FD0];
	(tm) =	ssettm $0x1  }
0x9: {  	s19 =	sld [smem:$0x3FFB];
	_ =	sdelay $0x3  }
0xa: {  	_ =	strace s19  }
0xb: {  	s3 =	sld [smem:$0x3FFC];
	_ =	sdelay $0x3  }
0xc: {  	_ =	strace s3  }
0xd: {  	s3 =	sld [smem:$0x3FFD];
	_ =	sdelay $0x3  }
0xe: {  	_ =	strace s3  }
0xf: {  	_ =	strace $0x8FFFFFFF  }
0x10: {  	s20 =	sld [smem:$0x3FDB];
	_ =	sdelay $0x1  }
0x11: {  	s4 =	simm.s32 $_scs_section_size  }
0x12: {  	s5 =	simm.s32 $_size__tile_overlayer_lowered;
	s6 =	simm.s32 $_tile_overlayer_lowered  }
0x13: {  	s23 =	simm.s32 $0x1BFF;
	s22 =	sshll.u32 s6, $0x1;
	s3 =	sadd.s32 s4, s20  }
0x14: {  	s7 =	simm.s32 $0x0;
	s21 =	sshll.u32 s5, $0x1;
	s5 =	sadd.s32 s22, s3  }
0x15: {  	[timem:s7], [sflag:s23] =	dma.local [hbm:s5], s21  }
0x16: {  	_ =	swait.ge [sflag:s23], s21  }
0x17: {  	s4 =	ssub.s32 $0x0, s21;
	[sflag:s23] =	ssyncset.done $0x0  }
0x18: {  	[sflag:s23] =	ssyncadd.s32 s4;
	_ =	sdelay $0x1  }
0x19: {  	s24 =	simm.s32 $0x1B8B  }
0x1a: {  	_ =	swait.ge [sflag:s24], $0x1  }
0x1b: {  	[sflag:s24] =	ssyncset.done $0x0  }
0x1c: {  	s26 =	simm.s32 $0x1B8E;
	s25 =	sld [smem:$0x3FFE];
	[sflag:s24] =	ssyncadd.s32 $0xFFFFFFFF  }
0x1d: {  	s27 =	simm.s32 $execute0_lowered;
	[smem:$0x3FD2] =	sst s26  }
0x1e: {  	s5 =	sshll.u32 s27, $0x1;
	_ =	strace $0x80000049;
	[dreg:$0x1] =	wrdreg $0xFFFFFFFF  }
0x1f: {  	s28 =	simm.s32 $_size_execute0_lowered;
	s3 =	sadd.s32 s3, s5;
	[dreg:$0x0] =	wrdreg $0x0  }
0x20: {  	s5 =	sshll.u32 s28, $0x1;
	[dreg:$0x2] =	wrdreg s3  }
0x21: {  	[dreg:$0x3] =	wrdreg s5  }
0x22: {  	[dreg:$0x4] =	wrdreg $0xC0  }
0x23: {  	_ =	task [dreg:s7], $0x5FFFF  }
0x24: {  	[dreg:$0x1] =	wrdreg $0xFFFFFFFF  }
0x25: {  	[dreg:$0x0] =	wrdreg $0x60  }
0x26: {  	[dreg:$0x2] =	wrdreg s25  }
0x27: {  	[dreg:$0x3] =	wrdreg s2  }
0x28: {  	[dreg:$0x4] =	wrdreg $0x9  }
0x29: {  	_ =	task.clear_ibuf [dreg:s7], $0x5FFFF;
	_ =	strace $0x90000049  }
0x2a: {  	s29 =	simm.s32 $0x9;
	_ =	strace $0x8000004B  }
0x2b: {  	_ =	swait.ge [sflag:s29], $0x1  }
0x2c: {  	[sflag:s29] =	ssyncadd.s32 $0xFFFFFFFF  }
0x2d: {  	_ =	strace $0x9000004B  }
0x2e: {  	_ =	sfence  }
0x2f: {  	s30 =	sld [smem:$0x0];
	_ =	sdelay $0x2  }
0x30: {  	s31 =	sshll.u32 s1, $0xD;
	s1 =	sshrl.u32 s1, $0x2  }
0x31: {  	s3 =	sand.u32 $0x4000, s31;
	s1 =	sadd.s32 s1, s30  }
0x32: {  	s0 =	sor.u32 s3, s0;
	s1 =	sshll.u32 s1, $0x11  }
0x33: {  	s0 =	sor.u32 s1, s0  }
0x34: {  	s0 =	sadd.s32 $0x8F2B, s0  }
0x35: {  	[sflag:s0] =	ssyncadd.remote.s32 $0x1  }
0x36: {  	_ =	sfence.sel $0xFFFF  }
0x37: {  	[dreg:$0x0] =	wrdreg $0xFFFFFFFF;
	(pc) =	sbr.abs _section_cstart, $3  }
0x38: {  	[dreg:$0x1] =	wrdreg $0xFFFFFFFF  }
0x39: {  	_ =	task.clear_ibuf [dreg:s7], $0x2FFFF;
	_ =	strace $0x9FFFFFFF  }
0x3a: {  	(tm) =	ssettm $0x7FFFFFFF  }
0x3b: {  	_ =	shalt  }
tec
execute0_lowered:
.L_overlay_start_1:
0x0: {  	(tag) =	ssettag $0x1  }
0x1: {  	s0 =	srdreg.scid  }
0x2: {  	s1 =	sshll.u32 s0, $0x4  }
0x3: {  	s0 =	stileid.u32;
	s1 =	sand.u32 $0x10, s1  }
0x4: {  	s1 =	sor.u32 s0, s1  }
0x5: {  	s6 =	rddreg [dreg:$0x0];
	s4 =	simm.s32 $0x1;
	s2 =	sshll.u32 s1, $0x7  }
0x6: {  	s7 =	simm.s32 $0x2;
	s12 =	simm.s32 $0x0;
	s1 =	ssub.s32 $0x1000, s2  }
0x7: {  	s8 =	simm.s32 $0x8000;
	s13 =	simm.s32 $0x0;
	s3 =	sand.u32 $0xF80, s1  }
0x8: {  	s9 =	simm.s32 $0x0;
	s5 =	sshrl.u32 s1, $0xC;
	p0 =	sne.s32 s3, $0x0  }
.Ltmp0:
0x9: {  	s1 =	rddreg [dreg:$0x2];
	s4 =	simm.s32 @!p0 $0x0;
	(pc) =	sbr.rel .LBB1_1-.Ltmp0, $4  }
0xa: {  	s11 =	simm.s32 $0x0;
	s3 =	rddreg [dreg:$0x1];
	s5 =	sadd.s32 s4, s5  }
0xb: {  	_ =	strace $0x8000004A;
	s4 =	simm.s32 $0x1;
	s5 =	smul.u32 $0xC8, s5  }
0xc: {  	s6 =	sadd.s32 $0x1200, s6;
	s10 =	smov.u32 s2;
	[sflag:s4] =	ssyncpa.u1 $0x0  }
0xd: {  	p0 =	por $0x0, $0x0;
	[sflag:s7] =	ssyncpa.u1 $0x0;
	s7 =	sor.u32 $0x1, s5  }
.LBB1_4:
0xe: {  	s16 =	sshll.u32 s13, $0x3;
	s17 =	sand.u32 $0x78, s13  }
0xf: {  	s30 =	sand.u32 $0x7E00, s13;
	s12 =	sshll.u32 s12, $0xF;
	s16 =	sand.u32 $0xC00, s16  }
0x10: {  	[tilespmem:s15+$0x810 ss:$0x81] =	vst.msk $0xffff, v2;
	s31 =	sand.u32 $0x7, s13;
	s16 =	sor.u32 s17, s16;
	s17 =	sadd.s32 s3, s30  }
0x11: {  	[tilespmem:s15+$0x1020 ss:$0x81] =	vst.msk $0xffff, v0;
	s13 =	sshll.u32 s31, $0x12;
	s12 =	sadd.s32 s12, s17;
	s16 =	sshrl.u32 s16, $0x3  }
0x12: {  	[tilespmem:s15+$0x0 ss:$0x81] =	vst.msk $0xffff, v1;
	s13 =	sor.u32 $0x400, s13;
	s12 =	sadd.s32 s16, s12  }
0x13: {  	[hbm4b:s12+s13] =	stream.strided.scatter [tilespmem:s14], [sflag:$0x2], $0x2000, s8, s13, $0x20;
	[tilespmem:$0x8080] =	vst v63  }
.LBB1_5:
0x14: {  	s14 =	sadd.s32 $0x1, s9  }
0x15: {  	s12 =	sadd.s32 $0x1000, s10;
	s16 =	smov.u32 s10;
	p2 =	sgt.s32 s14, $0xC7  }
0x16: {  	s16 =	smov.u32 @p2 s12  }
0x17: {  	s14 =	simm.s32 @p2 $0x0;
	p2 =	sgt.s32 s16, $0xFFF  }
0x18: {  	s16 =	smov.u32 @p2 s2;
	p2 =	sne.s32 s11, s7  }
.Ltmp1:
0x19: {  	p1 =	slt.u32 s11, $0x2;
	(pc) =	sbr.rel @!p2 .LBB1_6-.Ltmp1, $4  }
0x1a: {  	s15 =	simm.s32 @!p1 $0x2  }
0x1b: {  	s13 =	smov.u32 s10;
	p0 =	por !p0, !p0;
	_ =	swait.ge @!p1 [sflag:s15], $0x2000  }
0x1c: {  	s12 =	smov.u32 s9;
	[sflag:s15] =	ssyncset.done @!p1 $0x0;
	s9 =	smov.u32 s14  }
0x1d: {  	s11 =	sadd.s32 $0x1, s11;
	[sflag:s15] =	ssyncadd.s32 @!p1 $0xFFFFE000;
	s10 =	smov.u32 s16  }
.LBB1_1:
0x1e: {  	p1 =	sge.u32 s11, s5  }
0x1f: {  	s14 =	sand.u32 @!p1 $0x1FFFFFF, s9  }
0x20: {  	s15 =	smulhi.u32 @!p1 $0x147AE15, s14;
	_ =	sdelay $0x1  }
0x21: {  	s15 =	smul.u32 @!p1 $0xC8, s15  }
0x22: {  	s16 =	sxor.u32 @!p1 $0xFFFFFFFF, s11;
	s17 =	smul.u32 @!p1 $0xC80, s10  }
0x23: {  	s31 =	sadd.s32 $0xFFFFFFFF, s11;
	s16 =	sshll.u32 @!p1 s16, $0xD;
	s14 =	ssub.s32 @!p1 s14, s15  }
0x24: {  	s15 =	sand.u32 @!p1 $0x2000, s16;
	s16 =	sadd.s32 @!p1 s6, s17;
	s14 =	sshll.u32 @!p1 s14, $0x4  }
0x25: {  	s17 =	simm.s32 @!p1 $0x6400;
	s14 =	sadd.s32 @!p1 s14, s16;
	s16 =	simm.s32 @!p1 $0x40  }
0x26: {  	[tilespmem:s15], [sflag:$0x1] =	stream.strided.gather @!p1 [hbm4b:s14+s16], $0x2000, s17, s16, $0x38;
	[tilespmem:$0x8080] =	vst v63  }
0x27: {  	p1 =	sge.u32 s31, s5  }
.Ltmp2:
0x28: {  	_ = 	snop;
	(pc) =	sbr.rel @p1 .LBB1_5-.Ltmp2, $1  }
0x29: {  	_ =	sdelay $0x3  }
0x2a: {  	s14 =	simm.s32 $0x1  }
0x2b: {  	_ =	swait.ge [sflag:s4], $0x2000;
	s14 =	simm.s32 @!p0 $0x0  }
0x2c: {  	[sflag:s4] =	ssyncset.done $0x0;
	s15 =	sshll.u32 s14, $0xD  }
0x2d: {  	[sflag:s4] =	ssyncadd.s32 $0xFFFFE000;
	s18 =	sor.u32 $0x20, s15  }
0x2e: {  	s14 =	smul.u32 $0x8100, s14;
	v3 =	vld [tilespmem:s18+$0x10]  }
0x2f: {  	s30 =	sand.u32 $0x1, s11;
	v2 =	vld [tilespmem:s18+$0xFFFFFFF0]  }
0x30: {  	s15 =	smul.u32 $0x8100, s30;
	s14 =	sshrl.u32 s14, $0x2;
	v0 =	vld [tilespmem:s18+$0x0]  }
0x31: {  	v1 =	vld [tilespmem:s18+$0xFFFFFFE0];
	s16 =	sor.u32 $0x4000, s14  }
0x32: {  	s31 =	sshrl.u32 s15, $0x2;
	s15 =	sadd.s32 $0x0, s16  }
0x33: {  	s17 =	simm.s32 $0x4;
	s18 =	sadd.s32 $0x40, s18;
	s14 =	sor.u32 $0x4000, s31;
	[tilespmem:s15+$0x1830 ss:$0x81] =	vst.msk $0xffff, v3  }
.LBB1_3:
0x34: {  	v3 =	vld [tilespmem:s18+$0x10];
	p1 =	sne.s32 s17, $0x1FC;
	[tilespmem:s15+$0x810 ss:$0x81] =	vst.msk $0xffff, v2;
	s19 =	smov.u32 s17;
	s17 =	sadd.s32 $0x4, s17  }
.Ltmp3:
0x35: {  	v2 =	vld [tilespmem:s18+$0xFFFFFFF0];
	[tilespmem:s15+$0x1020 ss:$0x81] =	vst.msk $0xffff, v0;
	(pc) =	sbr.rel @p1 .LBB1_3-.Ltmp3, $4  }
0x36: {  	v0 =	vld [tilespmem:s18+$0x0];
	[tilespmem:s15+$0x0 ss:$0x81] =	vst.msk $0xffff, v1  }
0x37: {  	s15 =	sshra.s32 s19, $0x2;
	v1 =	vld [tilespmem:s18+$0xFFFFFFE0]  }
0x38: {  	s15 =	sadd.s32 s15, s16  }
0x39: {  	s18 =	sadd.s32 $0x40, s18;
	[tilespmem:s15+$0x1830 ss:$0x81] =	vst.msk $0xffff, v3  }
.Ltmp4:
0x3a: {  	_ = 	snop;
	(pc) =	sbr.rel .LBB1_4-.Ltmp4, $1  }
0x3b: {  	_ =	sdelay $0x3  }
.LBB1_6:
0x3c: {  	_ =	sfence.sel $0x180000  }
0x3d: {  	s2 =	simm.s32 $0x1;
	[bflag:$0x0] =	sbarrier.arrive $0xFFFF  }
0x3e: {  	s31 =	simm.s32 $0x2;
	[sflag:s2] =	ssyncpa.u1 $0x1  }
0x3f: {  	[sflag:s31] =	ssyncpa.u1 $0x1  }
0x40: {  	p0 =	sne.s32 s0, $0x0;
	_ =	strace $0x9000004A  }
0x41: {  	s0 =	sadd.s32 @!p0 $0x100000, s1;
	[bflag:$0x2] =	sbarrier.arrive $0xFFFF  }
0x42: {  	[sflag:s0] =	ssyncadd.tile.s32 @!p0 $0x1;
	_ =	shalt  }
.Lfunc_end1:
_tile_overlayer_lowered:
.L_overlay_start_2:
0x43: {  	(tag) =	ssettag $0x2  }
0x44: {  	s0 =	rddreg [dreg:$0x0];
	s2 =	stileid.u32  }
0x45: {  	s1 =	rddreg [dreg:$0x1];
	p0 =	sne.s32 s2, $0x0  }
0x46: {  	s3 =	rddreg [dreg:$0x2];
	[bflag:$0x3] =	sbarrier.arrive $0xFFFF;
	s2 =	simm.s32 @!p0 $0x1C01  }
0x47: {  	[timem:s3], [sflag:s2] =	dma.local @!p0 [hbm:s0], s1  }
0x48: {  	s0 =	simm.s32 @!p0 $0x1  }
0x49: {  	_ =	swait.ge @!p0 [sflag:s0], s1  }
0x4a: {  	s1 =	ssub.s32 @!p0 $0x0, s1;
	[sflag:s0] =	ssyncset.done @!p0 $0x0  }
0x4b: {  	[sflag:s0] =	ssyncadd.s32 @!p0 s1  }
0x4c: {  	[bflag:$0x3] =	sbarrier.arrive $0xFFFF  }
0x4d: {  	_ =	shalt  }

</sc_bundles>
